<compile_context>
chip_gen: v7x
topology: tpu7x:2x2x1
jax: 0.10.2.dev20260603
libtpu: 0.0.44.dev20260713+nightly
codegen_flags: <defaults>
</compile_context>

<pallas_src>
import functools

import jax
import jax.numpy as jnp
from jax import lax
from jax.experimental import pallas as pl
from jax.experimental.pallas import tpu as pltpu
from jax.experimental.pallas import tpu_sc as plsc

_NC = 2
_NS = 16
_LANES = 16
_NBUF = 4
_LOOK = 2


def _build(B, L, V, D):
    T = B * L
    NW = _NC * _NS
    per_w = T // NW
    C = L
    n_chunks = per_w // C

    mesh = plsc.VectorSubcoreMesh(core_axis_name="c", subcore_axis_name="s")

    scratch = (
        [pltpu.VMEM((C,), jnp.int32) for _ in range(_NBUF)]
        + [pltpu.VMEM((C, D), jnp.float32) for _ in range(_NBUF)]
        + [pltpu.VMEM((L, D), jnp.float32)]
        + [pltpu.SemaphoreType.DMA for _ in range(2 * _NBUF)]
    )

    @functools.partial(
        pl.kernel,
        out_type=jax.ShapeDtypeStruct((T, D), jnp.float32),
        mesh=mesh,
        scratch_types=scratch,
        compiler_params=pltpu.CompilerParams(use_tc_tiling_on_sc=False),
    )
    def run(tok_hbm, tab_hbm, pos_hbm, out_hbm, *scr):
        idx = scr[0:_NBUF]
        rows = scr[_NBUF:2 * _NBUF]
        pos_v = scr[2 * _NBUF]
        gsem = scr[2 * _NBUF + 1: 2 * _NBUF + 1 + _NBUF]
        osem = scr[2 * _NBUF + 1 + _NBUF:]

        wid = lax.axis_index("s") * _NC + lax.axis_index("c")
        base = wid * per_w
        pltpu.sync_copy(pos_hbm, pos_v)

        for g in range(_LOOK):
            b = g % _NBUF
            pltpu.sync_copy(tok_hbm.at[pl.ds(base + g * C, C)], idx[b])
            pltpu.async_copy(tab_hbm.at[idx[b]], rows[b], gsem[b])

        def visit(g, bo):
            bl = (bo + _LOOK) % _NBUF

            @pl.when(g + _LOOK < n_chunks)
            def _launch():
                pltpu.sync_copy(
                    tok_hbm.at[pl.ds(base + (g + _LOOK) * C, C)], idx[bl])

                @pl.when(g + _LOOK - _NBUF >= 0)
                def _drain():
                    pltpu.make_async_copy(
                        rows[bl], out_hbm.at[pl.ds(base, C)], osem[bl]).wait()

                pltpu.async_copy(tab_hbm.at[idx[bl]], rows[bl], gsem[bl])

            pltpu.make_async_copy(
                tab_hbm.at[idx[bo]], rows[bo], gsem[bo]).wait()

            def add_row(r, c2):
                for j in range(D // _LANES):
                    sl = pl.ds(j * _LANES, _LANES)
                    plsc.addupdate(rows[bo].at[r, sl], pos_v[r, sl])
                return c2

            lax.fori_loop(0, C, add_row, 0, unroll=4)
            pltpu.async_copy(
                rows[bo], out_hbm.at[pl.ds(base + g * C, C)], osem[bo])

        def outer(m, carry):
            for bo in range(_NBUF):
                visit(m * _NBUF + bo, bo)
            return carry

        lax.fori_loop(0, n_chunks // _NBUF, outer, 0)

        for bo in range(_NBUF):
            pltpu.make_async_copy(
                rows[bo], out_hbm.at[pl.ds(base, C)], osem[bo]).wait()

    return run


def kernel(tokens, token_table, pos_emb):
    B, L = tokens.shape
    V, D = token_table.shape
    run = _build(B, L, V, D)
    out = run(tokens.reshape(B * L), token_table, pos_emb)
    return out.reshape(B, L, D)

# --- scband reference (transcript-rebuilt; emitter-appended) ---
"""Pipeline reference for scband-token-and-position-embedding-11785390260273 (READ-ONLY COPY).

The authoritative reference and input builder live on the scoring server;
editing this copy changes nothing except your own understanding.
"""

import jax, jax.numpy as jnp
import numpy as np

VOCAB = 1000000
MAXLEN = 200
D_MODEL = 64
BATCH = 4096

def setup_inputs(seed: int = 0) -> dict:
    key = jax.random.key(seed)
    k_tok, k_tab, k_pos = jax.random.split(key, 3)
    tokens = jax.random.randint(k_tok, (BATCH, MAXLEN), 0, VOCAB, dtype=jnp.int64 if jax.config.jax_enable_x64 else jnp.int32).astype(jnp.int32)
    token_table = jax.random.normal(k_tab, (VOCAB, D_MODEL), dtype=jnp.float32) * 0.02
    pos_emb = jax.random.normal(k_pos, (MAXLEN, D_MODEL), dtype=jnp.float32) * 0.02
    return {"tokens": tokens, "token_table": token_table, "pos_emb": pos_emb}

def reference(tokens, token_table, pos_emb):
    # Token embedding lookup: gather rows of the table by token id
    tok = jnp.take(token_table, tokens, axis=0)          # [B, L, D]
    # Positional embedding for positions 0..L-1, broadcast over batch
    positions = jnp.arange(tokens.shape[1])              # [L]
    pos = jnp.take(pos_emb, positions, axis=0)           # [L, D]
    return tok + pos[None, :, :]                         # [B, L, D]

if __name__ == "__main__":
    import jax
    _d = setup_inputs()
    print(jax.jit(kernel)(*tuple(_d.values())))

</pallas_src>

<mosaic_0001>
#map = affine_map<(d0, d1) -> (0)>
#map1 = affine_map<(d0, d1) -> (0, 0)>
module attributes {stable_mosaic.version = 14 : i64} {
  func.func @run(%arg0: i32, %arg1: i32, %arg2: memref<819200xi32, #tpu.memory_space<hbm>>, %arg3: memref<1000000x64xf32, #tpu.memory_space<hbm>>, %arg4: memref<200x64xf32, #tpu.memory_space<hbm>>, %arg5: memref<819200x64xf32, #tpu.memory_space<hbm>>, %arg6: memref<200xi32, #tpu.memory_space<vmem>>, %arg7: memref<200xi32, #tpu.memory_space<vmem>>, %arg8: memref<200xi32, #tpu.memory_space<vmem>>, %arg9: memref<200xi32, #tpu.memory_space<vmem>>, %arg10: memref<200x64xf32, #tpu.memory_space<vmem>>, %arg11: memref<200x64xf32, #tpu.memory_space<vmem>>, %arg12: memref<200x64xf32, #tpu.memory_space<vmem>>, %arg13: memref<200x64xf32, #tpu.memory_space<vmem>>, %arg14: memref<200x64xf32, #tpu.memory_space<vmem>>, %arg15: memref<!tpu.dma_semaphore, #tpu.memory_space<semaphore_mem>>, %arg16: memref<!tpu.dma_semaphore, #tpu.memory_space<semaphore_mem>>, %arg17: memref<!tpu.dma_semaphore, #tpu.memory_space<semaphore_mem>>, %arg18: memref<!tpu.dma_semaphore, #tpu.memory_space<semaphore_mem>>, %arg19: memref<!tpu.dma_semaphore, #tpu.memory_space<semaphore_mem>>, %arg20: memref<!tpu.dma_semaphore, #tpu.memory_space<semaphore_mem>>, %arg21: memref<!tpu.dma_semaphore, #tpu.memory_space<semaphore_mem>>, %arg22: memref<!tpu.dma_semaphore, #tpu.memory_space<semaphore_mem>>) attributes {dimension_semantics = [#tpu.dimension_semantics<core_parallel>, #tpu.dimension_semantics<subcore_parallel>], iteration_bounds = array<i64: 2, 16>, scalar_prefetch = 0 : i64, scratch_operands = 17 : i64, tpu.core_type = #tpu.core_type<sc_vector_subcore>, window_params = [{transform_indices = #map}, {transform_indices = #map1}, {transform_indices = #map1}, {transform_indices = #map1}]} {
    %mul3A = arith.constant 2 : i32
    %mul3A_0 = arith.muli %arg1, %mul3A : i32
    %add3A = arith.addi %mul3A_0, %arg0 : i32
    %mul3A_1 = arith.constant 25600 : i32
    %mul3A_2 = arith.muli %add3A, %mul3A_1 : i32
    "tpu.region"() ({
      %run_scoped3A = tpu.sem_alloc : memref<!tpu.dma_semaphore, #tpu.memory_space<semaphore_mem>>
      tpu.enqueue_dma source(%arg4 : memref<200x64xf32, #tpu.memory_space<hbm>>) target(%arg14 : memref<200x64xf32, #tpu.memory_space<vmem>>) target_semaphore(%run_scoped3A : memref<!tpu.dma_semaphore, #tpu.memory_space<semaphore_mem>>)
      tpu.wait_dma2 semaphore(%run_scoped3A : memref<!tpu.dma_semaphore, #tpu.memory_space<semaphore_mem>>) src(%arg4 : memref<200x64xf32, #tpu.memory_space<hbm>>) dst(%arg14 : memref<200x64xf32, #tpu.memory_space<vmem>>)
      tpu.yield
    }) : () -> ()
    %add3A_3 = arith.constant 0 : i32
    %add3A_4 = arith.addi %mul3A_2, %add3A_3 : i32
    "tpu.region"() ({
      %run_scoped3A = tpu.sem_alloc : memref<!tpu.dma_semaphore, #tpu.memory_space<semaphore_mem>>
      %dma_start3A_32 = tpu.memref_slice %arg2[%add3A_4] : memref<819200xi32, #tpu.memory_space<hbm>> -> memref<200xi32, #tpu.memory_space<hbm>>
      %dma_start3A_33 = tpu.memref_slice %arg2[%add3A_4] : memref<819200xi32, #tpu.memory_space<hbm>> -> memref<200xi32, #tpu.memory_space<hbm>>
      tpu.enqueue_dma source(%dma_start3A_33 : memref<200xi32, #tpu.memory_space<hbm>>) target(%arg6 : memref<200xi32, #tpu.memory_space<vmem>>) target_semaphore(%run_scoped3A : memref<!tpu.dma_semaphore, #tpu.memory_space<semaphore_mem>>)
      %dma_wait3A_34 = tpu.memref_slice %arg2[%add3A_4] : memref<819200xi32, #tpu.memory_space<hbm>> -> memref<200xi32, #tpu.memory_space<hbm>>
      %dma_wait3A_35 = tpu.memref_slice %arg2[%add3A_4] : memref<819200xi32, #tpu.memory_space<hbm>> -> memref<200xi32, #tpu.memory_space<hbm>>
      tpu.wait_dma2 semaphore(%run_scoped3A : memref<!tpu.dma_semaphore, #tpu.memory_space<semaphore_mem>>) src(%dma_wait3A_35 : memref<200xi32, #tpu.memory_space<hbm>>) dst(%arg6 : memref<200xi32, #tpu.memory_space<vmem>>)
      tpu.yield
    }) : () -> ()
    %dma_start3A = arith.constant 0 : i32
    %dma_start3A_5 = arith.constant 0 : i32
    %dma_start3A_6 = tpu.memref_slice %arg3[%dma_start3A, %dma_start3A_5] : memref<1000000x64xf32, #tpu.memory_space<hbm>> -> memref<1000000x64xf32, #tpu.memory_space<hbm>>
    tpu.enqueue_indirect_dma source(%dma_start3A_6 : memref<1000000x64xf32, #tpu.memory_space<hbm>>) target(%arg10 : memref<200x64xf32, #tpu.memory_space<vmem>>) offsets(%arg6 : memref<200xi32, #tpu.memory_space<vmem>>) semaphore(%arg15 : memref<!tpu.dma_semaphore, #tpu.memory_space<semaphore_mem>>)
    %add3A_7 = arith.constant 200 : i32
    %add3A_8 = arith.addi %mul3A_2, %add3A_7 : i32
    "tpu.region"() ({
      %run_scoped3A = tpu.sem_alloc : memref<!tpu.dma_semaphore, #tpu.memory_space<semaphore_mem>>
      %dma_start3A_32 = tpu.memref_slice %arg2[%add3A_8] : memref<819200xi32, #tpu.memory_space<hbm>> -> memref<200xi32, #tpu.memory_space<hbm>>
      %dma_start3A_33 = tpu.memref_slice %arg2[%add3A_8] : memref<819200xi32, #tpu.memory_space<hbm>> -> memref<200xi32, #tpu.memory_space<hbm>>
      tpu.enqueue_dma source(%dma_start3A_33 : memref<200xi32, #tpu.memory_space<hbm>>) target(%arg7 : memref<200xi32, #tpu.memory_space<vmem>>) target_semaphore(%run_scoped3A : memref<!tpu.dma_semaphore, #tpu.memory_space<semaphore_mem>>)
      %dma_wait3A_34 = tpu.memref_slice %arg2[%add3A_8] : memref<819200xi32, #tpu.memory_space<hbm>> -> memref<200xi32, #tpu.memory_space<hbm>>
      %dma_wait3A_35 = tpu.memref_slice %arg2[%add3A_8] : memref<819200xi32, #tpu.memory_space<hbm>> -> memref<200xi32, #tpu.memory_space<hbm>>
      tpu.wait_dma2 semaphore(%run_scoped3A : memref<!tpu.dma_semaphore, #tpu.memory_space<semaphore_mem>>) src(%dma_wait3A_35 : memref<200xi32, #tpu.memory_space<hbm>>) dst(%arg7 : memref<200xi32, #tpu.memory_space<vmem>>)
      tpu.yield
    }) : () -> ()
    %dma_start3A_9 = arith.constant 0 : i32
    %dma_start3A_10 = arith.constant 0 : i32
    %dma_start3A_11 = tpu.memref_slice %arg3[%dma_start3A_9, %dma_start3A_10] : memref<1000000x64xf32, #tpu.memory_space<hbm>> -> memref<1000000x64xf32, #tpu.memory_space<hbm>>
    tpu.enqueue_indirect_dma source(%dma_start3A_11 : memref<1000000x64xf32, #tpu.memory_space<hbm>>) target(%arg11 : memref<200x64xf32, #tpu.memory_space<vmem>>) offsets(%arg7 : memref<200xi32, #tpu.memory_space<vmem>>) semaphore(%arg16 : memref<!tpu.dma_semaphore, #tpu.memory_space<semaphore_mem>>)
    %scan3A = arith.constant 0 : i32
    %scan3A_12 = arith.constant 0 : i32
    %scan3A_13 = arith.constant 32 : i32
    %scan3A_14 = arith.addi %scan3A_12, %scan3A_13 : i32
    %scan3A_15 = arith.constant 1 : i32
    scf.for %scan3A_32 = %scan3A_12 to %scan3A_14 step %scan3A_15  : i32 {
      %mul3A_33 = arith.constant 4 : i32
      %mul3A_34 = arith.muli %scan3A_32, %mul3A_33 : i32
      %add3A_35 = arith.constant 0 : i32
      %add3A_36 = arith.addi %mul3A_34, %add3A_35 : i32
      %add3A_37 = arith.constant 2 : i32
      %add3A_38 = arith.addi %add3A_36, %add3A_37 : i32
      %lt3A = arith.constant 128 : i32
      %lt3A_39 = arith.cmpi slt, %add3A_38, %lt3A : i32
      %convert_element_type3A = arith.extui %lt3A_39 : i1 to i32
      %cond3A = arith.constant 0 : i32
      %cond3A_40 = arith.cmpi ne, %convert_element_type3A, %cond3A : i32
      scf.if %cond3A_40 {
        %add3A_138 = arith.constant 2 : i32
        %add3A_139 = arith.addi %add3A_36, %add3A_138 : i32
        %mul3A_140 = arith.constant 200 : i32
        %mul3A_141 = arith.muli %add3A_139, %mul3A_140 : i32
        %add3A_142 = arith.addi %mul3A_2, %mul3A_141 : i32
        "tpu.region"() ({
          %run_scoped3A = tpu.sem_alloc : memref<!tpu.dma_semaphore, #tpu.memory_space<semaphore_mem>>
          %dma_start3A_153 = tpu.memref_slice %arg2[%add3A_142] : memref<819200xi32, #tpu.memory_space<hbm>> -> memref<200xi32, #tpu.memory_space<hbm>>
          %dma_start3A_154 = tpu.memref_slice %arg2[%add3A_142] : memref<819200xi32, #tpu.memory_space<hbm>> -> memref<200xi32, #tpu.memory_space<hbm>>
          tpu.enqueue_dma source(%dma_start3A_154 : memref<200xi32, #tpu.memory_space<hbm>>) target(%arg8 : memref<200xi32, #tpu.memory_space<vmem>>) target_semaphore(%run_scoped3A : memref<!tpu.dma_semaphore, #tpu.memory_space<semaphore_mem>>)
          %dma_wait3A_155 = tpu.memref_slice %arg2[%add3A_142] : memref<819200xi32, #tpu.memory_space<hbm>> -> memref<200xi32, #tpu.memory_space<hbm>>
          %dma_wait3A_156 = tpu.memref_slice %arg2[%add3A_142] : memref<819200xi32, #tpu.memory_space<hbm>> -> memref<200xi32, #tpu.memory_space<hbm>>
          tpu.wait_dma2 semaphore(%run_scoped3A : memref<!tpu.dma_semaphore, #tpu.memory_space<semaphore_mem>>) src(%dma_wait3A_156 : memref<200xi32, #tpu.memory_space<hbm>>) dst(%arg8 : memref<200xi32, #tpu.memory_space<vmem>>)
          tpu.yield
        }) : () -> ()
        %add3A_143 = arith.constant 2 : i32
        %add3A_144 = arith.addi %add3A_36, %add3A_143 : i32
        %sub3A = arith.constant 4 : i32
        %sub3A_145 = arith.subi %add3A_144, %sub3A : i32
        %ge3A = arith.constant 0 : i32
        %ge3A_146 = arith.cmpi sge, %sub3A_145, %ge3A : i32
        %convert_element_type3A_147 = arith.extui %ge3A_146 : i1 to i32
        %cond3A_148 = arith.constant 0 : i32
        %cond3A_149 = arith.cmpi ne, %convert_element_type3A_147, %cond3A_148 : i32
        scf.if %cond3A_149 {
          %dma_wait3A_153 = arith.constant 0 : i32
          %dma_wait3A_154 = tpu.memref_slice %arg5[%mul3A_2, %dma_wait3A_153] : memref<819200x64xf32, #tpu.memory_space<hbm>> -> memref<200x64xf32, #tpu.memory_space<hbm>>
          %dma_wait3A_155 = arith.constant 0 : i32
          %dma_wait3A_156 = tpu.memref_slice %arg5[%mul3A_2, %dma_wait3A_155] : memref<819200x64xf32, #tpu.memory_space<hbm>> -> memref<200x64xf32, #tpu.memory_space<hbm>>
          tpu.wait_dma2 semaphore(%arg21 : memref<!tpu.dma_semaphore, #tpu.memory_space<semaphore_mem>>) src(%arg12 : memref<200x64xf32, #tpu.memory_space<vmem>>) dst(%dma_wait3A_156 : memref<200x64xf32, #tpu.memory_space<hbm>>)
        } else {
        }
        %dma_start3A_150 = arith.constant 0 : i32
        %dma_start3A_151 = arith.constant 0 : i32
        %dma_start3A_152 = tpu.memref_slice %arg3[%dma_start3A_150, %dma_start3A_151] : memref<1000000x64xf32, #tpu.memory_space<hbm>> -> memref<1000000x64xf32, #tpu.memory_space<hbm>>
        tpu.enqueue_indirect_dma source(%dma_start3A_152 : memref<1000000x64xf32, #tpu.memory_space<hbm>>) target(%arg12 : memref<200x64xf32, #tpu.memory_space<vmem>>) offsets(%arg8 : memref<200xi32, #tpu.memory_space<vmem>>) semaphore(%arg17 : memref<!tpu.dma_semaphore, #tpu.memory_space<semaphore_mem>>)
      } else {
      }
      %dma_wait3A_41 = arith.constant 0 : i32
      %dma_wait3A_42 = arith.constant 0 : i32
      %dma_wait3A_43 = tpu.memref_slice %arg3[%dma_wait3A_41, %dma_wait3A_42] : memref<1000000x64xf32, #tpu.memory_space<hbm>> -> memref<1000000x64xf32, #tpu.memory_space<hbm>>
      tpu.wait_indirect_dma semaphore(%arg15 : memref<!tpu.dma_semaphore, #tpu.memory_space<semaphore_mem>>) src(%dma_wait3A_43 : memref<1000000x64xf32, #tpu.memory_space<hbm>>) dst(%arg10 : memref<200x64xf32, #tpu.memory_space<vmem>>)
      %scan3A_44 = arith.constant 0 : i32
      %scan3A_45 = arith.constant 0 : i32
      %scan3A_46 = arith.constant 200 : i32
      %scan3A_47 = arith.addi %scan3A_45, %scan3A_46 : i32
      %scan3A_48 = arith.constant 4 : i32
      scf.for %scan3A_138 = %scan3A_45 to %scan3A_47 step %scan3A_48  : i32 {
        %get3A = arith.index_cast %scan3A_138 : i32 to index
        %get3A_139 = arith.constant 0 : index
        %get3A_140 = tpu.vector_load %arg14[%get3A, %get3A_139] {strides = array<i32>} : memref<200x64xf32, #tpu.memory_space<vmem>>, vector<1x16xf32>,
        %get3A_141 = vector.shape_cast %get3A_140 : vector<1x16xf32> to vector<16xf32>
        %swap3A = arith.index_cast %scan3A_138 : i32 to index
        %swap3A_142 = arith.constant 0 : index
        %swap3A_143 = tpu.vector_load %arg10[%swap3A, %swap3A_142] {strides = array<i32>} : memref<200x64xf32, #tpu.memory_space<vmem>>, vector<1x16xf32>,
        %swap3A_144 = vector.shape_cast %swap3A_143 : vector<1x16xf32> to vector<16xf32>
        %swap3A_145 = vector.shape_cast %get3A_141 : vector<16xf32> to vector<1x16xf32>
        tpu.vector_store %arg10[%swap3A, %swap3A_142], %swap3A_145 {add = true, strides = array<i32>} : memref<200x64xf32, #tpu.memory_space<vmem>>, vector<1x16xf32>,
        %get3A_146 = arith.index_cast %scan3A_138 : i32 to index
        %get3A_147 = arith.constant 16 : index
        %get3A_148 = tpu.vector_load %arg14[%get3A_146, %get3A_147] {strides = array<i32>} : memref<200x64xf32, #tpu.memory_space<vmem>>, vector<1x16xf32>,
        %get3A_149 = vector.shape_cast %get3A_148 : vector<1x16xf32> to vector<16xf32>
        %swap3A_150 = arith.index_cast %scan3A_138 : i32 to index
        %swap3A_151 = arith.constant 16 : index
        %swap3A_152 = tpu.vector_load %arg10[%swap3A_150, %swap3A_151] {strides = array<i32>} : memref<200x64xf32, #tpu.memory_space<vmem>>, vector<1x16xf32>,
        %swap3A_153 = vector.shape_cast %swap3A_152 : vector<1x16xf32> to vector<16xf32>
        %swap3A_154 = vector.shape_cast %get3A_149 : vector<16xf32> to vector<1x16xf32>
        tpu.vector_store %arg10[%swap3A_150, %swap3A_151], %swap3A_154 {add = true, strides = array<i32>} : memref<200x64xf32, #tpu.memory_space<vmem>>, vector<1x16xf32>,
        %get3A_155 = arith.index_cast %scan3A_138 : i32 to index
        %get3A_156 = arith.constant 32 : index
        %get3A_157 = tpu.vector_load %arg14[%get3A_155, %get3A_156] {strides = array<i32>} : memref<200x64xf32, #tpu.memory_space<vmem>>, vector<1x16xf32>,
        %get3A_158 = vector.shape_cast %get3A_157 : vector<1x16xf32> to vector<16xf32>
        %swap3A_159 = arith.index_cast %scan3A_138 : i32 to index
        %swap3A_160 = arith.constant 32 : index
        %swap3A_161 = tpu.vector_load %arg10[%swap3A_159, %swap3A_160] {strides = array<i32>} : memref<200x64xf32, #tpu.memory_space<vmem>>, vector<1x16xf32>,
        %swap3A_162 = vector.shape_cast %swap3A_161 : vector<1x16xf32> to vector<16xf32>
        %swap3A_163 = vector.shape_cast %get3A_158 : vector<16xf32> to vector<1x16xf32>
        tpu.vector_store %arg10[%swap3A_159, %swap3A_160], %swap3A_163 {add = true, strides = array<i32>} : memref<200x64xf32, #tpu.memory_space<vmem>>, vector<1x16xf32>,
        %get3A_164 = arith.index_cast %scan3A_138 : i32 to index
        %get3A_165 = arith.constant 48 : index
        %get3A_166 = tpu.vector_load %arg14[%get3A_164, %get3A_165] {strides = array<i32>} : memref<200x64xf32, #tpu.memory_space<vmem>>, vector<1x16xf32>,
        %get3A_167 = vector.shape_cast %get3A_166 : vector<1x16xf32> to vector<16xf32>
        %swap3A_168 = arith.index_cast %scan3A_138 : i32 to index
        %swap3A_169 = arith.constant 48 : index
        %swap3A_170 = tpu.vector_load %arg10[%swap3A_168, %swap3A_169] {strides = array<i32>} : memref<200x64xf32, #tpu.memory_space<vmem>>, vector<1x16xf32>,
        %swap3A_171 = vector.shape_cast %swap3A_170 : vector<1x16xf32> to vector<16xf32>
        %swap3A_172 = vector.shape_cast %get3A_167 : vector<16xf32> to vector<1x16xf32>
        tpu.vector_store %arg10[%swap3A_168, %swap3A_169], %swap3A_172 {add = true, strides = array<i32>} : memref<200x64xf32, #tpu.memory_space<vmem>>, vector<1x16xf32>,
        %scan3A_173 = arith.constant 1 : i32
        %scan3A_174 = arith.addi %scan3A_138, %scan3A_173 : i32
        %get3A_175 = arith.index_cast %scan3A_174 : i32 to index
        %get3A_176 = arith.constant 0 : index
        %get3A_177 = tpu.vector_load %arg14[%get3A_175, %get3A_176] {strides = array<i32>} : memref<200x64xf32, #tpu.memory_space<vmem>>, vector<1x16xf32>,
        %get3A_178 = vector.shape_cast %get3A_177 : vector<1x16xf32> to vector<16xf32>
        %swap3A_179 = arith.index_cast %scan3A_174 : i32 to index
        %swap3A_180 = arith.constant 0 : index
        %swap3A_181 = tpu.vector_load %arg10[%swap3A_179, %swap3A_180] {strides = array<i32>} : memref<200x64xf32, #tpu.memory_space<vmem>>, vector<1x16xf32>,
        %swap3A_182 = vector.shape_cast %swap3A_181 : vector<1x16xf32> to vector<16xf32>
        %swap3A_183 = vector.shape_cast %get3A_178 : vector<16xf32> to vector<1x16xf32>
        tpu.vector_store %arg10[%swap3A_179, %swap3A_180], %swap3A_183 {add = true, strides = array<i32>} : memref<200x64xf32, #tpu.memory_space<vmem>>, vector<1x16xf32>,
        %get3A_184 = arith.index_cast %scan3A_174 : i32 to index
        %get3A_185 = arith.constant 16 : index
        %get3A_186 = tpu.vector_load %arg14[%get3A_184, %get3A_185] {strides = array<i32>} : memref<200x64xf32, #tpu.memory_space<vmem>>, vector<1x16xf32>,
        %get3A_187 = vector.shape_cast %get3A_186 : vector<1x16xf32> to vector<16xf32>
        %swap3A_188 = arith.index_cast %scan3A_174 : i32 to index
        %swap3A_189 = arith.constant 16 : index
        %swap3A_190 = tpu.vector_load %arg10[%swap3A_188, %swap3A_189] {strides = array<i32>} : memref<200x64xf32, #tpu.memory_space<vmem>>, vector<1x16xf32>,
        %swap3A_191 = vector.shape_cast %swap3A_190 : vector<1x16xf32> to vector<16xf32>
        %swap3A_192 = vector.shape_cast %get3A_187 : vector<16xf32> to vector<1x16xf32>
        tpu.vector_store %arg10[%swap3A_188, %swap3A_189], %swap3A_192 {add = true, strides = array<i32>} : memref<200x64xf32, #tpu.memory_space<vmem>>, vector<1x16xf32>,
        %get3A_193 = arith.index_cast %scan3A_174 : i32 to index
        %get3A_194 = arith.constant 32 : index
        %get3A_195 = tpu.vector_load %arg14[%get3A_193, %get3A_194] {strides = array<i32>} : memref<200x64xf32, #tpu.memory_space<vmem>>, vector<1x16xf32>,
        %get3A_196 = vector.shape_cast %get3A_195 : vector<1x16xf32> to vector<16xf32>
        %swap3A_197 = arith.index_cast %scan3A_174 : i32 to index
        %swap3A_198 = arith.constant 32 : index
        %swap3A_199 = tpu.vector_load %arg10[%swap3A_197, %swap3A_198] {strides = array<i32>} : memref<200x64xf32, #tpu.memory_space<vmem>>, vector<1x16xf32>,
        %swap3A_200 = vector.shape_cast %swap3A_199 : vector<1x16xf32> to vector<16xf32>
        %swap3A_201 = vector.shape_cast %get3A_196 : vector<16xf32> to vector<1x16xf32>
        tpu.vector_store %arg10[%swap3A_197, %swap3A_198], %swap3A_201 {add = true, strides = array<i32>} : memref<200x64xf32, #tpu.memory_space<vmem>>, vector<1x16xf32>,
        %get3A_202 = arith.index_cast %scan3A_174 : i32 to index
        %get3A_203 = arith.constant 48 : index
        %get3A_204 = tpu.vector_load %arg14[%get3A_202, %get3A_203] {strides = array<i32>} : memref<200x64xf32, #tpu.memory_space<vmem>>, vector<1x16xf32>,
        %get3A_205 = vector.shape_cast %get3A_204 : vector<1x16xf32> to vector<16xf32>
        %swap3A_206 = arith.index_cast %scan3A_174 : i32 to index
        %swap3A_207 = arith.constant 48 : index
        %swap3A_208 = tpu.vector_load %arg10[%swap3A_206, %swap3A_207] {strides = array<i32>} : memref<200x64xf32, #tpu.memory_space<vmem>>, vector<1x16xf32>,
        %swap3A_209 = vector.shape_cast %swap3A_208 : vector<1x16xf32> to vector<16xf32>
        %swap3A_210 = vector.shape_cast %get3A_205 : vector<16xf32> to vector<1x16xf32>
        tpu.vector_store %arg10[%swap3A_206, %swap3A_207], %swap3A_210 {add = true, strides = array<i32>} : memref<200x64xf32, #tpu.memory_space<vmem>>, vector<1x16xf32>,
        %scan3A_211 = arith.constant 2 : i32
        %scan3A_212 = arith.addi %scan3A_138, %scan3A_211 : i32
        %get3A_213 = arith.index_cast %scan3A_212 : i32 to index
        %get3A_214 = arith.constant 0 : index
        %get3A_215 = tpu.vector_load %arg14[%get3A_213, %get3A_214] {strides = array<i32>} : memref<200x64xf32, #tpu.memory_space<vmem>>, vector<1x16xf32>,
        %get3A_216 = vector.shape_cast %get3A_215 : vector<1x16xf32> to vector<16xf32>
        %swap3A_217 = arith.index_cast %scan3A_212 : i32 to index
        %swap3A_218 = arith.constant 0 : index
        %swap3A_219 = tpu.vector_load %arg10[%swap3A_217, %swap3A_218] {strides = array<i32>} : memref<200x64xf32, #tpu.memory_space<vmem>>, vector<1x16xf32>,
        %swap3A_220 = vector.shape_cast %swap3A_219 : vector<1x16xf32> to vector<16xf32>
        %swap3A_221 = vector.shape_cast %get3A_216 : vector<16xf32> to vector<1x16xf32>
        tpu.vector_store %arg10[%swap3A_217, %swap3A_218], %swap3A_221 {add = true, strides = array<i32>} : memref<200x64xf32, #tpu.memory_space<vmem>>, vector<1x16xf32>,
        %get3A_222 = arith.index_cast %scan3A_212 : i32 to index
        %get3A_223 = arith.constant 16 : index
        %get3A_224 = tpu.vector_load %arg14[%get3A_222, %get3A_223] {strides = array<i32>} : memref<200x64xf32, #tpu.memory_space<vmem>>, vector<1x16xf32>,
        %get3A_225 = vector.shape_cast %get3A_224 : vector<1x16xf32> to vector<16xf32>
        %swap3A_226 = arith.index_cast %scan3A_212 : i32 to index
        %swap3A_227 = arith.constant 16 : index
        %swap3A_228 = tpu.vector_load %arg10[%swap3A_226, %swap3A_227] {strides = array<i32>} : memref<200x64xf32, #tpu.memory_space<vmem>>, vector<1x16xf32>,
        %swap3A_229 = vector.shape_cast %swap3A_228 : vector<1x16xf32> to vector<16xf32>
        %swap3A_230 = vector.shape_cast %get3A_225 : vector<16xf32> to vector<1x16xf32>
        tpu.vector_store %arg10[%swap3A_226, %swap3A_227], %swap3A_230 {add = true, strides = array<i32>} : memref<200x64xf32, #tpu.memory_space<vmem>>, vector<1x16xf32>,
        %get3A_231 = arith.index_cast %scan3A_212 : i32 to index
        %get3A_232 = arith.constant 32 : index
        %get3A_233 = tpu.vector_load %arg14[%get3A_231, %get3A_232] {strides = array<i32>} : memref<200x64xf32, #tpu.memory_space<vmem>>, vector<1x16xf32>,
        %get3A_234 = vector.shape_cast %get3A_233 : vector<1x16xf32> to vector<16xf32>
        %swap3A_235 = arith.index_cast %scan3A_212 : i32 to index
        %swap3A_236 = arith.constant 32 : index
        %swap3A_237 = tpu.vector_load %arg10[%swap3A_235, %swap3A_236] {strides = array<i32>} : memref<200x64xf32, #tpu.memory_space<vmem>>, vector<1x16xf32>,
        %swap3A_238 = vector.shape_cast %swap3A_237 : vector<1x16xf32> to vector<16xf32>
        %swap3A_239 = vector.shape_cast %get3A_234 : vector<16xf32> to vector<1x16xf32>
        tpu.vector_store %arg10[%swap3A_235, %swap3A_236], %swap3A_239 {add = true, strides = array<i32>} : memref<200x64xf32, #tpu.memory_space<vmem>>, vector<1x16xf32>,
        %get3A_240 = arith.index_cast %scan3A_212 : i32 to index
        %get3A_241 = arith.constant 48 : index
        %get3A_242 = tpu.vector_load %arg14[%get3A_240, %get3A_241] {strides = array<i32>} : memref<200x64xf32, #tpu.memory_space<vmem>>, vector<1x16xf32>,
        %get3A_243 = vector.shape_cast %get3A_242 : vector<1x16xf32> to vector<16xf32>
        %swap3A_244 = arith.index_cast %scan3A_212 : i32 to index
        %swap3A_245 = arith.constant 48 : index
        %swap3A_246 = tpu.vector_load %arg10[%swap3A_244, %swap3A_245] {strides = array<i32>} : memref<200x64xf32, #tpu.memory_space<vmem>>, vector<1x16xf32>,
        %swap3A_247 = vector.shape_cast %swap3A_246 : vector<1x16xf32> to vector<16xf32>
        %swap3A_248 = vector.shape_cast %get3A_243 : vector<16xf32> to vector<1x16xf32>
        tpu.vector_store %arg10[%swap3A_244, %swap3A_245], %swap3A_248 {add = true, strides = array<i32>} : memref<200x64xf32, #tpu.memory_space<vmem>>, vector<1x16xf32>,
        %scan3A_249 = arith.constant 3 : i32
        %scan3A_250 = arith.addi %scan3A_138, %scan3A_249 : i32
        %get3A_251 = arith.index_cast %scan3A_250 : i32 to index
        %get3A_252 = arith.constant 0 : index
        %get3A_253 = tpu.vector_load %arg14[%get3A_251, %get3A_252] {strides = array<i32>} : memref<200x64xf32, #tpu.memory_space<vmem>>, vector<1x16xf32>,
        %get3A_254 = vector.shape_cast %get3A_253 : vector<1x16xf32> to vector<16xf32>
        %swap3A_255 = arith.index_cast %scan3A_250 : i32 to index
        %swap3A_256 = arith.constant 0 : index
        %swap3A_257 = tpu.vector_load %arg10[%swap3A_255, %swap3A_256] {strides = array<i32>} : memref<200x64xf32, #tpu.memory_space<vmem>>, vector<1x16xf32>,
        %swap3A_258 = vector.shape_cast %swap3A_257 : vector<1x16xf32> to vector<16xf32>
        %swap3A_259 = vector.shape_cast %get3A_254 : vector<16xf32> to vector<1x16xf32>
        tpu.vector_store %arg10[%swap3A_255, %swap3A_256], %swap3A_259 {add = true, strides = array<i32>} : memref<200x64xf32, #tpu.memory_space<vmem>>, vector<1x16xf32>,
        %get3A_260 = arith.index_cast %scan3A_250 : i32 to index
        %get3A_261 = arith.constant 16 : index
        %get3A_262 = tpu.vector_load %arg14[%get3A_260, %get3A_261] {strides = array<i32>} : memref<200x64xf32, #tpu.memory_space<vmem>>, vector<1x16xf32>,
        %get3A_263 = vector.shape_cast %get3A_262 : vector<1x16xf32> to vector<16xf32>
        %swap3A_264 = arith.index_cast %scan3A_250 : i32 to index
        %swap3A_265 = arith.constant 16 : index
        %swap3A_266 = tpu.vector_load %arg10[%swap3A_264, %swap3A_265] {strides = array<i32>} : memref<200x64xf32, #tpu.memory_space<vmem>>, vector<1x16xf32>,
        %swap3A_267 = vector.shape_cast %swap3A_266 : vector<1x16xf32> to vector<16xf32>
        %swap3A_268 = vector.shape_cast %get3A_263 : vector<16xf32> to vector<1x16xf32>
        tpu.vector_store %arg10[%swap3A_264, %swap3A_265], %swap3A_268 {add = true, strides = array<i32>} : memref<200x64xf32, #tpu.memory_space<vmem>>, vector<1x16xf32>,
        %get3A_269 = arith.index_cast %scan3A_250 : i32 to index
        %get3A_270 = arith.constant 32 : index
        %get3A_271 = tpu.vector_load %arg14[%get3A_269, %get3A_270] {strides = array<i32>} : memref<200x64xf32, #tpu.memory_space<vmem>>, vector<1x16xf32>,
        %get3A_272 = vector.shape_cast %get3A_271 : vector<1x16xf32> to vector<16xf32>
        %swap3A_273 = arith.index_cast %scan3A_250 : i32 to index
        %swap3A_274 = arith.constant 32 : index
        %swap3A_275 = tpu.vector_load %arg10[%swap3A_273, %swap3A_274] {strides = array<i32>} : memref<200x64xf32, #tpu.memory_space<vmem>>, vector<1x16xf32>,
        %swap3A_276 = vector.shape_cast %swap3A_275 : vector<1x16xf32> to vector<16xf32>
        %swap3A_277 = vector.shape_cast %get3A_272 : vector<16xf32> to vector<1x16xf32>
        tpu.vector_store %arg10[%swap3A_273, %swap3A_274], %swap3A_277 {add = true, strides = array<i32>} : memref<200x64xf32, #tpu.memory_space<vmem>>, vector<1x16xf32>,
        %get3A_278 = arith.index_cast %scan3A_250 : i32 to index
        %get3A_279 = arith.constant 48 : index
        %get3A_280 = tpu.vector_load %arg14[%get3A_278, %get3A_279] {strides = array<i32>} : memref<200x64xf32, #tpu.memory_space<vmem>>, vector<1x16xf32>,
        %get3A_281 = vector.shape_cast %get3A_280 : vector<1x16xf32> to vector<16xf32>
        %swap3A_282 = arith.index_cast %scan3A_250 : i32 to index
        %swap3A_283 = arith.constant 48 : index
        %swap3A_284 = tpu.vector_load %arg10[%swap3A_282, %swap3A_283] {strides = array<i32>} : memref<200x64xf32, #tpu.memory_space<vmem>>, vector<1x16xf32>,
        %swap3A_285 = vector.shape_cast %swap3A_284 : vector<1x16xf32> to vector<16xf32>
        %swap3A_286 = vector.shape_cast %get3A_281 : vector<16xf32> to vector<1x16xf32>
        tpu.vector_store %arg10[%swap3A_282, %swap3A_283], %swap3A_286 {add = true, strides = array<i32>} : memref<200x64xf32, #tpu.memory_space<vmem>>, vector<1x16xf32>,
      }
      %scan3A_49 = arith.constant 200 : i32
      %mul3A_50 = arith.constant 200 : i32
      %mul3A_51 = arith.muli %add3A_36, %mul3A_50 : i32
      %add3A_52 = arith.addi %mul3A_2, %mul3A_51 : i32
      %dma_start3A_53 = arith.constant 0 : i32
      %dma_start3A_54 = tpu.memref_slice %arg5[%add3A_52, %dma_start3A_53] : memref<819200x64xf32, #tpu.memory_space<hbm>> -> memref<200x64xf32, #tpu.memory_space<hbm>>
      %dma_start3A_55 = arith.constant 0 : i32
      %dma_start3A_56 = tpu.memref_slice %arg5[%add3A_52, %dma_start3A_55] : memref<819200x64xf32, #tpu.memory_space<hbm>> -> memref<200x64xf32, #tpu.memory_space<hbm>>
      tpu.enqueue_dma source(%arg10 : memref<200x64xf32, #tpu.memory_space<vmem>>) target(%dma_start3A_56 : memref<200x64xf32, #tpu.memory_space<hbm>>) target_semaphore(%arg19 : memref<!tpu.dma_semaphore, #tpu.memory_space<semaphore_mem>>)
      %mul3A_57 = arith.constant 4 : i32
      %mul3A_58 = arith.muli %scan3A_32, %mul3A_57 : i32
      %add3A_59 = arith.constant 1 : i32
      %add3A_60 = arith.addi %mul3A_58, %add3A_59 : i32
      %add3A_61 = arith.constant 2 : i32
      %add3A_62 = arith.addi %add3A_60, %add3A_61 : i32
      %lt3A_63 = arith.constant 128 : i32
      %lt3A_64 = arith.cmpi slt, %add3A_62, %lt3A_63 : i32
      %convert_element_type3A_65 = arith.extui %lt3A_64 : i1 to i32
      %cond3A_66 = arith.constant 0 : i32
      %cond3A_67 = arith.cmpi ne, %convert_element_type3A_65, %cond3A_66 : i32
      scf.if %cond3A_67 {
        %add3A_138 = arith.constant 2 : i32
        %add3A_139 = arith.addi %add3A_60, %add3A_138 : i32
        %mul3A_140 = arith.constant 200 : i32
        %mul3A_141 = arith.muli %add3A_139, %mul3A_140 : i32
        %add3A_142 = arith.addi %mul3A_2, %mul3A_141 : i32
        "tpu.region"() ({
          %run_scoped3A = tpu.sem_alloc : memref<!tpu.dma_semaphore, #tpu.memory_space<semaphore_mem>>
          %dma_start3A_153 = tpu.memref_slice %arg2[%add3A_142] : memref<819200xi32, #tpu.memory_space<hbm>> -> memref<200xi32, #tpu.memory_space<hbm>>
          %dma_start3A_154 = tpu.memref_slice %arg2[%add3A_142] : memref<819200xi32, #tpu.memory_space<hbm>> -> memref<200xi32, #tpu.memory_space<hbm>>
          tpu.enqueue_dma source(%dma_start3A_154 : memref<200xi32, #tpu.memory_space<hbm>>) target(%arg9 : memref<200xi32, #tpu.memory_space<vmem>>) target_semaphore(%run_scoped3A : memref<!tpu.dma_semaphore, #tpu.memory_space<semaphore_mem>>)
          %dma_wait3A_155 = tpu.memref_slice %arg2[%add3A_142] : memref<819200xi32, #tpu.memory_space<hbm>> -> memref<200xi32, #tpu.memory_space<hbm>>
          %dma_wait3A_156 = tpu.memref_slice %arg2[%add3A_142] : memref<819200xi32, #tpu.memory_space<hbm>> -> memref<200xi32, #tpu.memory_space<hbm>>
          tpu.wait_dma2 semaphore(%run_scoped3A : memref<!tpu.dma_semaphore, #tpu.memory_space<semaphore_mem>>) src(%dma_wait3A_156 : memref<200xi32, #tpu.memory_space<hbm>>) dst(%arg9 : memref<200xi32, #tpu.memory_space<vmem>>)
          tpu.yield
        }) : () -> ()
        %add3A_143 = arith.constant 2 : i32
        %add3A_144 = arith.addi %add3A_60, %add3A_143 : i32
        %sub3A = arith.constant 4 : i32
        %sub3A_145 = arith.subi %add3A_144, %sub3A : i32
        %ge3A = arith.constant 0 : i32
        %ge3A_146 = arith.cmpi sge, %sub3A_145, %ge3A : i32
        %convert_element_type3A_147 = arith.extui %ge3A_146 : i1 to i32
        %cond3A_148 = arith.constant 0 : i32
        %cond3A_149 = arith.cmpi ne, %convert_element_type3A_147, %cond3A_148 : i32
        scf.if %cond3A_149 {
          %dma_wait3A_153 = arith.constant 0 : i32
          %dma_wait3A_154 = tpu.memref_slice %arg5[%mul3A_2, %dma_wait3A_153] : memref<819200x64xf32, #tpu.memory_space<hbm>> -> memref<200x64xf32, #tpu.memory_space<hbm>>
          %dma_wait3A_155 = arith.constant 0 : i32
          %dma_wait3A_156 = tpu.memref_slice %arg5[%mul3A_2, %dma_wait3A_155] : memref<819200x64xf32, #tpu.memory_space<hbm>> -> memref<200x64xf32, #tpu.memory_space<hbm>>
          tpu.wait_dma2 semaphore(%arg22 : memref<!tpu.dma_semaphore, #tpu.memory_space<semaphore_mem>>) src(%arg13 : memref<200x64xf32, #tpu.memory_space<vmem>>) dst(%dma_wait3A_156 : memref<200x64xf32, #tpu.memory_space<hbm>>)
        } else {
        }
        %dma_start3A_150 = arith.constant 0 : i32
        %dma_start3A_151 = arith.constant 0 : i32
        %dma_start3A_152 = tpu.memref_slice %arg3[%dma_start3A_150, %dma_start3A_151] : memref<1000000x64xf32, #tpu.memory_space<hbm>> -> memref<1000000x64xf32, #tpu.memory_space<hbm>>
        tpu.enqueue_indirect_dma source(%dma_start3A_152 : memref<1000000x64xf32, #tpu.memory_space<hbm>>) target(%arg13 : memref<200x64xf32, #tpu.memory_space<vmem>>) offsets(%arg9 : memref<200xi32, #tpu.memory_space<vmem>>) semaphore(%arg18 : memref<!tpu.dma_semaphore, #tpu.memory_space<semaphore_mem>>)
      } else {
      }
      %dma_wait3A_68 = arith.constant 0 : i32
      %dma_wait3A_69 = arith.constant 0 : i32
      %dma_wait3A_70 = tpu.memref_slice %arg3[%dma_wait3A_68, %dma_wait3A_69] : memref<1000000x64xf32, #tpu.memory_space<hbm>> -> memref<1000000x64xf32, #tpu.memory_space<hbm>>
      tpu.wait_indirect_dma semaphore(%arg16 : memref<!tpu.dma_semaphore, #tpu.memory_space<semaphore_mem>>) src(%dma_wait3A_70 : memref<1000000x64xf32, #tpu.memory_space<hbm>>) dst(%arg11 : memref<200x64xf32, #tpu.memory_space<vmem>>)
      %scan3A_71 = arith.constant 0 : i32
      %scan3A_72 = arith.constant 0 : i32
      %scan3A_73 = arith.constant 200 : i32
      %scan3A_74 = arith.addi %scan3A_72, %scan3A_73 : i32
      %scan3A_75 = arith.constant 4 : i32
      scf.for %scan3A_138 = %scan3A_72 to %scan3A_74 step %scan3A_75  : i32 {
        %get3A = arith.index_cast %scan3A_138 : i32 to index
        %get3A_139 = arith.constant 0 : index
        %get3A_140 = tpu.vector_load %arg14[%get3A, %get3A_139] {strides = array<i32>} : memref<200x64xf32, #tpu.memory_space<vmem>>, vector<1x16xf32>,
        %get3A_141 = vector.shape_cast %get3A_140 : vector<1x16xf32> to vector<16xf32>
        %swap3A = arith.index_cast %scan3A_138 : i32 to index
        %swap3A_142 = arith.constant 0 : index
        %swap3A_143 = tpu.vector_load %arg11[%swap3A, %swap3A_142] {strides = array<i32>} : memref<200x64xf32, #tpu.memory_space<vmem>>, vector<1x16xf32>,
        %swap3A_144 = vector.shape_cast %swap3A_143 : vector<1x16xf32> to vector<16xf32>
        %swap3A_145 = vector.shape_cast %get3A_141 : vector<16xf32> to vector<1x16xf32>
        tpu.vector_store %arg11[%swap3A, %swap3A_142], %swap3A_145 {add = true, strides = array<i32>} : memref<200x64xf32, #tpu.memory_space<vmem>>, vector<1x16xf32>,
        %get3A_146 = arith.index_cast %scan3A_138 : i32 to index
        %get3A_147 = arith.constant 16 : index
        %get3A_148 = tpu.vector_load %arg14[%get3A_146, %get3A_147] {strides = array<i32>} : memref<200x64xf32, #tpu.memory_space<vmem>>, vector<1x16xf32>,
        %get3A_149 = vector.shape_cast %get3A_148 : vector<1x16xf32> to vector<16xf32>
        %swap3A_150 = arith.index_cast %scan3A_138 : i32 to index
        %swap3A_151 = arith.constant 16 : index
        %swap3A_152 = tpu.vector_load %arg11[%swap3A_150, %swap3A_151] {strides = array<i32>} : memref<200x64xf32, #tpu.memory_space<vmem>>, vector<1x16xf32>,
        %swap3A_153 = vector.shape_cast %swap3A_152 : vector<1x16xf32> to vector<16xf32>
        %swap3A_154 = vector.shape_cast %get3A_149 : vector<16xf32> to vector<1x16xf32>
        tpu.vector_store %arg11[%swap3A_150, %swap3A_151], %swap3A_154 {add = true, strides = array<i32>} : memref<200x64xf32, #tpu.memory_space<vmem>>, vector<1x16xf32>,
        %get3A_155 = arith.index_cast %scan3A_138 : i32 to index
        %get3A_156 = arith.constant 32 : index
        %get3A_157 = tpu.vector_load %arg14[%get3A_155, %get3A_156] {strides = array<i32>} : memref<200x64xf32, #tpu.memory_space<vmem>>, vector<1x16xf32>,
        %get3A_158 = vector.shape_cast %get3A_157 : vector<1x16xf32> to vector<16xf32>
        %swap3A_159 = arith.index_cast %scan3A_138 : i32 to index
        %swap3A_160 = arith.constant 32 : index
        %swap3A_161 = tpu.vector_load %arg11[%swap3A_159, %swap3A_160] {strides = array<i32>} : memref<200x64xf32, #tpu.memory_space<vmem>>, vector<1x16xf32>,
        %swap3A_162 = vector.shape_cast %swap3A_161 : vector<1x16xf32> to vector<16xf32>
        %swap3A_163 = vector.shape_cast %get3A_158 : vector<16xf32> to vector<1x16xf32>
        tpu.vector_store %arg11[%swap3A_159, %swap3A_160], %swap3A_163 {add = true, strides = array<i32>} : memref<200x64xf32, #tpu.memory_space<vmem>>, vector<1x16xf32>,
        %get3A_164 = arith.index_cast %scan3A_138 : i32 to index
        %get3A_165 = arith.constant 48 : index
        %get3A_166 = tpu.vector_load %arg14[%get3A_164, %get3A_165] {strides = array<i32>} : memref<200x64xf32, #tpu.memory_space<vmem>>, vector<1x16xf32>,
        %get3A_167 = vector.shape_cast %get3A_166 : vector<1x16xf32> to vector<16xf32>
        %swap3A_168 = arith.index_cast %scan3A_138 : i32 to index
        %swap3A_169 = arith.constant 48 : index
        %swap3A_170 = tpu.vector_load %arg11[%swap3A_168, %swap3A_169] {strides = array<i32>} : memref<200x64xf32, #tpu.memory_space<vmem>>, vector<1x16xf32>,
        %swap3A_171 = vector.shape_cast %swap3A_170 : vector<1x16xf32> to vector<16xf32>
        %swap3A_172 = vector.shape_cast %get3A_167 : vector<16xf32> to vector<1x16xf32>
        tpu.vector_store %arg11[%swap3A_168, %swap3A_169], %swap3A_172 {add = true, strides = array<i32>} : memref<200x64xf32, #tpu.memory_space<vmem>>, vector<1x16xf32>,
        %scan3A_173 = arith.constant 1 : i32
        %scan3A_174 = arith.addi %scan3A_138, %scan3A_173 : i32
        %get3A_175 = arith.index_cast %scan3A_174 : i32 to index
        %get3A_176 = arith.constant 0 : index
        %get3A_177 = tpu.vector_load %arg14[%get3A_175, %get3A_176] {strides = array<i32>} : memref<200x64xf32, #tpu.memory_space<vmem>>, vector<1x16xf32>,
        %get3A_178 = vector.shape_cast %get3A_177 : vector<1x16xf32> to vector<16xf32>
        %swap3A_179 = arith.index_cast %scan3A_174 : i32 to index
        %swap3A_180 = arith.constant 0 : index
        %swap3A_181 = tpu.vector_load %arg11[%swap3A_179, %swap3A_180] {strides = array<i32>} : memref<200x64xf32, #tpu.memory_space<vmem>>, vector<1x16xf32>,
        %swap3A_182 = vector.shape_cast %swap3A_181 : vector<1x16xf32> to vector<16xf32>
        %swap3A_183 = vector.shape_cast %get3A_178 : vector<16xf32> to vector<1x16xf32>
        tpu.vector_store %arg11[%swap3A_179, %swap3A_180], %swap3A_183 {add = true, strides = array<i32>} : memref<200x64xf32, #tpu.memory_space<vmem>>, vector<1x16xf32>,
        %get3A_184 = arith.index_cast %scan3A_174 : i32 to index
        %get3A_185 = arith.constant 16 : index
        %get3A_186 = tpu.vector_load %arg14[%get3A_184, %get3A_185] {strides = array<i32>} : memref<200x64xf32, #tpu.memory_space<vmem>>, vector<1x16xf32>,
        %get3A_187 = vector.shape_cast %get3A_186 : vector<1x16xf32> to vector<16xf32>
        %swap3A_188 = arith.index_cast %scan3A_174 : i32 to index
        %swap3A_189 = arith.constant 16 : index
        %swap3A_190 = tpu.vector_load %arg11[%swap3A_188, %swap3A_189] {strides = array<i32>} : memref<200x64xf32, #tpu.memory_space<vmem>>, vector<1x16xf32>,
        %swap3A_191 = vector.shape_cast %swap3A_190 : vector<1x16xf32> to vector<16xf32>
        %swap3A_192 = vector.shape_cast %get3A_187 : vector<16xf32> to vector<1x16xf32>
        tpu.vector_store %arg11[%swap3A_188, %swap3A_189], %swap3A_192 {add = true, strides = array<i32>} : memref<200x64xf32, #tpu.memory_space<vmem>>, vector<1x16xf32>,
        %get3A_193 = arith.index_cast %scan3A_174 : i32 to index
        %get3A_194 = arith.constant 32 : index
        %get3A_195 = tpu.vector_load %arg14[%get3A_193, %get3A_194] {strides = array<i32>} : memref<200x64xf32, #tpu.memory_space<vmem>>, vector<1x16xf32>,
        %get3A_196 = vector.shape_cast %get3A_195 : vector<1x16xf32> to vector<16xf32>
        %swap3A_197 = arith.index_cast %scan3A_174 : i32 to index
        %swap3A_198 = arith.constant 32 : index
        %swap3A_199 = tpu.vector_load %arg11[%swap3A_197, %swap3A_198] {strides = array<i32>} : memref<200x64xf32, #tpu.memory_space<vmem>>, vector<1x16xf32>,
        %swap3A_200 = vector.shape_cast %swap3A_199 : vector<1x16xf32> to vector<16xf32>
        %swap3A_201 = vector.shape_cast %get3A_196 : vector<16xf32> to vector<1x16xf32>
        tpu.vector_store %arg11[%swap3A_197, %swap3A_198], %swap3A_201 {add = true, strides = array<i32>} : memref<200x64xf32, #tpu.memory_space<vmem>>, vector<1x16xf32>,
        %get3A_202 = arith.index_cast %scan3A_174 : i32 to index
        %get3A_203 = arith.constant 48 : index
        %get3A_204 = tpu.vector_load %arg14[%get3A_202, %get3A_203] {strides = array<i32>} : memref<200x64xf32, #tpu.memory_space<vmem>>, vector<1x16xf32>,
        %get3A_205 = vector.shape_cast %get3A_204 : vector<1x16xf32> to vector<16xf32>
        %swap3A_206 = arith.index_cast %scan3A_174 : i32 to index
        %swap3A_207 = arith.constant 48 : index
        %swap3A_208 = tpu.vector_load %arg11[%swap3A_206, %swap3A_207] {strides = array<i32>} : memref<200x64xf32, #tpu.memory_space<vmem>>, vector<1x16xf32>,
        %swap3A_209 = vector.shape_cast %swap3A_208 : vector<1x16xf32> to vector<16xf32>
        %swap3A_210 = vector.shape_cast %get3A_205 : vector<16xf32> to vector<1x16xf32>
        tpu.vector_store %arg11[%swap3A_206, %swap3A_207], %swap3A_210 {add = true, strides = array<i32>} : memref<200x64xf32, #tpu.memory_space<vmem>>, vector<1x16xf32>,
        %scan3A_211 = arith.constant 2 : i32
        %scan3A_212 = arith.addi %scan3A_138, %scan3A_211 : i32
        %get3A_213 = arith.index_cast %scan3A_212 : i32 to index
        %get3A_214 = arith.constant 0 : index
        %get3A_215 = tpu.vector_load %arg14[%get3A_213, %get3A_214] {strides = array<i32>} : memref<200x64xf32, #tpu.memory_space<vmem>>, vector<1x16xf32>,
        %get3A_216 = vector.shape_cast %get3A_215 : vector<1x16xf32> to vector<16xf32>
        %swap3A_217 = arith.index_cast %scan3A_212 : i32 to index
        %swap3A_218 = arith.constant 0 : index
        %swap3A_219 = tpu.vector_load %arg11[%swap3A_217, %swap3A_218] {strides = array<i32>} : memref<200x64xf32, #tpu.memory_space<vmem>>, vector<1x16xf32>,
        %swap3A_220 = vector.shape_cast %swap3A_219 : vector<1x16xf32> to vector<16xf32>
        %swap3A_221 = vector.shape_cast %get3A_216 : vector<16xf32> to vector<1x16xf32>
        tpu.vector_store %arg11[%swap3A_217, %swap3A_218], %swap3A_221 {add = true, strides = array<i32>} : memref<200x64xf32, #tpu.memory_space<vmem>>, vector<1x16xf32>,
        %get3A_222 = arith.index_cast %scan3A_212 : i32 to index
        %get3A_223 = arith.constant 16 : index
        %get3A_224 = tpu.vector_load %arg14[%get3A_222, %get3A_223] {strides = array<i32>} : memref<200x64xf32, #tpu.memory_space<vmem>>, vector<1x16xf32>,
        %get3A_225 = vector.shape_cast %get3A_224 : vector<1x16xf32> to vector<16xf32>
        %swap3A_226 = arith.index_cast %scan3A_212 : i32 to index
        %swap3A_227 = arith.constant 16 : index
        %swap3A_228 = tpu.vector_load %arg11[%swap3A_226, %swap3A_227] {strides = array<i32>} : memref<200x64xf32, #tpu.memory_space<vmem>>, vector<1x16xf32>,
        %swap3A_229 = vector.shape_cast %swap3A_228 : vector<1x16xf32> to vector<16xf32>
        %swap3A_230 = vector.shape_cast %get3A_225 : vector<16xf32> to vector<1x16xf32>
        tpu.vector_store %arg11[%swap3A_226, %swap3A_227], %swap3A_230 {add = true, strides = array<i32>} : memref<200x64xf32, #tpu.memory_space<vmem>>, vector<1x16xf32>,
        %get3A_231 = arith.index_cast %scan3A_212 : i32 to index
        %get3A_232 = arith.constant 32 : index
        %get3A_233 = tpu.vector_load %arg14[%get3A_231, %get3A_232] {strides = array<i32>} : memref<200x64xf32, #tpu.memory_space<vmem>>, vector<1x16xf32>,
        %get3A_234 = vector.shape_cast %get3A_233 : vector<1x16xf32> to vector<16xf32>
        %swap3A_235 = arith.index_cast %scan3A_212 : i32 to index
        %swap3A_236 = arith.constant 32 : index
        %swap3A_237 = tpu.vector_load %arg11[%swap3A_235, %swap3A_236] {strides = array<i32>} : memref<200x64xf32, #tpu.memory_space<vmem>>, vector<1x16xf32>,
        %swap3A_238 = vector.shape_cast %swap3A_237 : vector<1x16xf32> to vector<16xf32>
        %swap3A_239 = vector.shape_cast %get3A_234 : vector<16xf32> to vector<1x16xf32>
        tpu.vector_store %arg11[%swap3A_235, %swap3A_236], %swap3A_239 {add = true, strides = array<i32>} : memref<200x64xf32, #tpu.memory_space<vmem>>, vector<1x16xf32>,
        %get3A_240 = arith.index_cast %scan3A_212 : i32 to index
        %get3A_241 = arith.constant 48 : index
        %get3A_242 = tpu.vector_load %arg14[%get3A_240, %get3A_241] {strides = array<i32>} : memref<200x64xf32, #tpu.memory_space<vmem>>, vector<1x16xf32>,
        %get3A_243 = vector.shape_cast %get3A_242 : vector<1x16xf32> to vector<16xf32>
        %swap3A_244 = arith.index_cast %scan3A_212 : i32 to index
        %swap3A_245 = arith.constant 48 : index
        %swap3A_246 = tpu.vector_load %arg11[%swap3A_244, %swap3A_245] {strides = array<i32>} : memref<200x64xf32, #tpu.memory_space<vmem>>, vector<1x16xf32>,
        %swap3A_247 = vector.shape_cast %swap3A_246 : vector<1x16xf32> to vector<16xf32>
        %swap3A_248 = vector.shape_cast %get3A_243 : vector<16xf32> to vector<1x16xf32>
        tpu.vector_store %arg11[%swap3A_244, %swap3A_245], %swap3A_248 {add = true, strides = array<i32>} : memref<200x64xf32, #tpu.memory_space<vmem>>, vector<1x16xf32>,
        %scan3A_249 = arith.constant 3 : i32
        %scan3A_250 = arith.addi %scan3A_138, %scan3A_249 : i32
        %get3A_251 = arith.index_cast %scan3A_250 : i32 to index
        %get3A_252 = arith.constant 0 : index
        %get3A_253 = tpu.vector_load %arg14[%get3A_251, %get3A_252] {strides = array<i32>} : memref<200x64xf32, #tpu.memory_space<vmem>>, vector<1x16xf32>,
        %get3A_254 = vector.shape_cast %get3A_253 : vector<1x16xf32> to vector<16xf32>
        %swap3A_255 = arith.index_cast %scan3A_250 : i32 to index
        %swap3A_256 = arith.constant 0 : index
        %swap3A_257 = tpu.vector_load %arg11[%swap3A_255, %swap3A_256] {strides = array<i32>} : memref<200x64xf32, #tpu.memory_space<vmem>>, vector<1x16xf32>,
        %swap3A_258 = vector.shape_cast %swap3A_257 : vector<1x16xf32> to vector<16xf32>
        %swap3A_259 = vector.shape_cast %get3A_254 : vector<16xf32> to vector<1x16xf32>
        tpu.vector_store %arg11[%swap3A_255, %swap3A_256], %swap3A_259 {add = true, strides = array<i32>} : memref<200x64xf32, #tpu.memory_space<vmem>>, vector<1x16xf32>,
        %get3A_260 = arith.index_cast %scan3A_250 : i32 to index
        %get3A_261 = arith.constant 16 : index
        %get3A_262 = tpu.vector_load %arg14[%get3A_260, %get3A_261] {strides = array<i32>} : memref<200x64xf32, #tpu.memory_space<vmem>>, vector<1x16xf32>,
        %get3A_263 = vector.shape_cast %get3A_262 : vector<1x16xf32> to vector<16xf32>
        %swap3A_264 = arith.index_cast %scan3A_250 : i32 to index
        %swap3A_265 = arith.constant 16 : index
        %swap3A_266 = tpu.vector_load %arg11[%swap3A_264, %swap3A_265] {strides = array<i32>} : memref<200x64xf32, #tpu.memory_space<vmem>>, vector<1x16xf32>,
        %swap3A_267 = vector.shape_cast %swap3A_266 : vector<1x16xf32> to vector<16xf32>
        %swap3A_268 = vector.shape_cast %get3A_263 : vector<16xf32> to vector<1x16xf32>
        tpu.vector_store %arg11[%swap3A_264, %swap3A_265], %swap3A_268 {add = true, strides = array<i32>} : memref<200x64xf32, #tpu.memory_space<vmem>>, vector<1x16xf32>,
        %get3A_269 = arith.index_cast %scan3A_250 : i32 to index
        %get3A_270 = arith.constant 32 : index
        %get3A_271 = tpu.vector_load %arg14[%get3A_269, %get3A_270] {strides = array<i32>} : memref<200x64xf32, #tpu.memory_space<vmem>>, vector<1x16xf32>,
        %get3A_272 = vector.shape_cast %get3A_271 : vector<1x16xf32> to vector<16xf32>
        %swap3A_273 = arith.index_cast %scan3A_250 : i32 to index
        %swap3A_274 = arith.constant 32 : index
        %swap3A_275 = tpu.vector_load %arg11[%swap3A_273, %swap3A_274] {strides = array<i32>} : memref<200x64xf32, #tpu.memory_space<vmem>>, vector<1x16xf32>,
        %swap3A_276 = vector.shape_cast %swap3A_275 : vector<1x16xf32> to vector<16xf32>
        %swap3A_277 = vector.shape_cast %get3A_272 : vector<16xf32> to vector<1x16xf32>
        tpu.vector_store %arg11[%swap3A_273, %swap3A_274], %swap3A_277 {add = true, strides = array<i32>} : memref<200x64xf32, #tpu.memory_space<vmem>>, vector<1x16xf32>,
        %get3A_278 = arith.index_cast %scan3A_250 : i32 to index
        %get3A_279 = arith.constant 48 : index
        %get3A_280 = tpu.vector_load %arg14[%get3A_278, %get3A_279] {strides = array<i32>} : memref<200x64xf32, #tpu.memory_space<vmem>>, vector<1x16xf32>,
        %get3A_281 = vector.shape_cast %get3A_280 : vector<1x16xf32> to vector<16xf32>
        %swap3A_282 = arith.index_cast %scan3A_250 : i32 to index
        %swap3A_283 = arith.constant 48 : index
        %swap3A_284 = tpu.vector_load %arg11[%swap3A_282, %swap3A_283] {strides = array<i32>} : memref<200x64xf32, #tpu.memory_space<vmem>>, vector<1x16xf32>,
        %swap3A_285 = vector.shape_cast %swap3A_284 : vector<1x16xf32> to vector<16xf32>
        %swap3A_286 = vector.shape_cast %get3A_281 : vector<16xf32> to vector<1x16xf32>
        tpu.vector_store %arg11[%swap3A_282, %swap3A_283], %swap3A_286 {add = true, strides = array<i32>} : memref<200x64xf32, #tpu.memory_space<vmem>>, vector<1x16xf32>,
      }
      %scan3A_76 = arith.constant 200 : i32
      %mul3A_77 = arith.constant 200 : i32
      %mul3A_78 = arith.muli %add3A_60, %mul3A_77 : i32
      %add3A_79 = arith.addi %mul3A_2, %mul3A_78 : i32
      %dma_start3A_80 = arith.constant 0 : i32
      %dma_start3A_81 = tpu.memref_slice %arg5[%add3A_79, %dma_start3A_80] : memref<819200x64xf32, #tpu.memory_space<hbm>> -> memref<200x64xf32, #tpu.memory_space<hbm>>
      %dma_start3A_82 = arith.constant 0 : i32
      %dma_start3A_83 = tpu.memref_slice %arg5[%add3A_79, %dma_start3A_82] : memref<819200x64xf32, #tpu.memory_space<hbm>> -> memref<200x64xf32, #tpu.memory_space<hbm>>
      tpu.enqueue_dma source(%arg11 : memref<200x64xf32, #tpu.memory_space<vmem>>) target(%dma_start3A_83 : memref<200x64xf32, #tpu.memory_space<hbm>>) target_semaphore(%arg20 : memref<!tpu.dma_semaphore, #tpu.memory_space<semaphore_mem>>)
      %mul3A_84 = arith.constant 4 : i32
      %mul3A_85 = arith.muli %scan3A_32, %mul3A_84 : i32
      %add3A_86 = arith.constant 2 : i32
      %add3A_87 = arith.addi %mul3A_85, %add3A_86 : i32
      %add3A_88 = arith.constant 2 : i32
      %add3A_89 = arith.addi %add3A_87, %add3A_88 : i32
      %lt3A_90 = arith.constant 128 : i32
      %lt3A_91 = arith.cmpi slt, %add3A_89, %lt3A_90 : i32
      %convert_element_type3A_92 = arith.extui %lt3A_91 : i1 to i32
      %cond3A_93 = arith.constant 0 : i32
      %cond3A_94 = arith.cmpi ne, %convert_element_type3A_92, %cond3A_93 : i32
      scf.if %cond3A_94 {
        %add3A_138 = arith.constant 2 : i32
        %add3A_139 = arith.addi %add3A_87, %add3A_138 : i32
        %mul3A_140 = arith.constant 200 : i32
        %mul3A_141 = arith.muli %add3A_139, %mul3A_140 : i32
        %add3A_142 = arith.addi %mul3A_2, %mul3A_141 : i32
        "tpu.region"() ({
          %run_scoped3A = tpu.sem_alloc : memref<!tpu.dma_semaphore, #tpu.memory_space<semaphore_mem>>
          %dma_start3A_153 = tpu.memref_slice %arg2[%add3A_142] : memref<819200xi32, #tpu.memory_space<hbm>> -> memref<200xi32, #tpu.memory_space<hbm>>
          %dma_start3A_154 = tpu.memref_slice %arg2[%add3A_142] : memref<819200xi32, #tpu.memory_space<hbm>> -> memref<200xi32, #tpu.memory_space<hbm>>
          tpu.enqueue_dma source(%dma_start3A_154 : memref<200xi32, #tpu.memory_space<hbm>>) target(%arg6 : memref<200xi32, #tpu.memory_space<vmem>>) target_semaphore(%run_scoped3A : memref<!tpu.dma_semaphore, #tpu.memory_space<semaphore_mem>>)
          %dma_wait3A_155 = tpu.memref_slice %arg2[%add3A_142] : memref<819200xi32, #tpu.memory_space<hbm>> -> memref<200xi32, #tpu.memory_space<hbm>>
          %dma_wait3A_156 = tpu.memref_slice %arg2[%add3A_142] : memref<819200xi32, #tpu.memory_space<hbm>> -> memref<200xi32, #tpu.memory_space<hbm>>
          tpu.wait_dma2 semaphore(%run_scoped3A : memref<!tpu.dma_semaphore, #tpu.memory_space<semaphore_mem>>) src(%dma_wait3A_156 : memref<200xi32, #tpu.memory_space<hbm>>) dst(%arg6 : memref<200xi32, #tpu.memory_space<vmem>>)
          tpu.yield
        }) : () -> ()
        %add3A_143 = arith.constant 2 : i32
        %add3A_144 = arith.addi %add3A_87, %add3A_143 : i32
        %sub3A = arith.constant 4 : i32
        %sub3A_145 = arith.subi %add3A_144, %sub3A : i32
        %ge3A = arith.constant 0 : i32
        %ge3A_146 = arith.cmpi sge, %sub3A_145, %ge3A : i32
        %convert_element_type3A_147 = arith.extui %ge3A_146 : i1 to i32
        %cond3A_148 = arith.constant 0 : i32
        %cond3A_149 = arith.cmpi ne, %convert_element_type3A_147, %cond3A_148 : i32
        scf.if %cond3A_149 {
          %dma_wait3A_153 = arith.constant 0 : i32
          %dma_wait3A_154 = tpu.memref_slice %arg5[%mul3A_2, %dma_wait3A_153] : memref<819200x64xf32, #tpu.memory_space<hbm>> -> memref<200x64xf32, #tpu.memory_space<hbm>>
          %dma_wait3A_155 = arith.constant 0 : i32
          %dma_wait3A_156 = tpu.memref_slice %arg5[%mul3A_2, %dma_wait3A_155] : memref<819200x64xf32, #tpu.memory_space<hbm>> -> memref<200x64xf32, #tpu.memory_space<hbm>>
          tpu.wait_dma2 semaphore(%arg19 : memref<!tpu.dma_semaphore, #tpu.memory_space<semaphore_mem>>) src(%arg10 : memref<200x64xf32, #tpu.memory_space<vmem>>) dst(%dma_wait3A_156 : memref<200x64xf32, #tpu.memory_space<hbm>>)
        } else {
        }
        %dma_start3A_150 = arith.constant 0 : i32
        %dma_start3A_151 = arith.constant 0 : i32
        %dma_start3A_152 = tpu.memref_slice %arg3[%dma_start3A_150, %dma_start3A_151] : memref<1000000x64xf32, #tpu.memory_space<hbm>> -> memref<1000000x64xf32, #tpu.memory_space<hbm>>
        tpu.enqueue_indirect_dma source(%dma_start3A_152 : memref<1000000x64xf32, #tpu.memory_space<hbm>>) target(%arg10 : memref<200x64xf32, #tpu.memory_space<vmem>>) offsets(%arg6 : memref<200xi32, #tpu.memory_space<vmem>>) semaphore(%arg15 : memref<!tpu.dma_semaphore, #tpu.memory_space<semaphore_mem>>)
      } else {
      }
      %dma_wait3A_95 = arith.constant 0 : i32
      %dma_wait3A_96 = arith.constant 0 : i32
      %dma_wait3A_97 = tpu.memref_slice %arg3[%dma_wait3A_95, %dma_wait3A_96] : memref<1000000x64xf32, #tpu.memory_space<hbm>> -> memref<1000000x64xf32, #tpu.memory_space<hbm>>
      tpu.wait_indirect_dma semaphore(%arg17 : memref<!tpu.dma_semaphore, #tpu.memory_space<semaphore_mem>>) src(%dma_wait3A_97 : memref<1000000x64xf32, #tpu.memory_space<hbm>>) dst(%arg12 : memref<200x64xf32, #tpu.memory_space<vmem>>)
      %scan3A_98 = arith.constant 0 : i32
      %scan3A_99 = arith.constant 0 : i32
      %scan3A_100 = arith.constant 200 : i32
      %scan3A_101 = arith.addi %scan3A_99, %scan3A_100 : i32
      %scan3A_102 = arith.constant 4 : i32
      scf.for %scan3A_138 = %scan3A_99 to %scan3A_101 step %scan3A_102  : i32 {
        %get3A = arith.index_cast %scan3A_138 : i32 to index
        %get3A_139 = arith.constant 0 : index
        %get3A_140 = tpu.vector_load %arg14[%get3A, %get3A_139] {strides = array<i32>} : memref<200x64xf32, #tpu.memory_space<vmem>>, vector<1x16xf32>,
        %get3A_141 = vector.shape_cast %get3A_140 : vector<1x16xf32> to vector<16xf32>
        %swap3A = arith.index_cast %scan3A_138 : i32 to index
        %swap3A_142 = arith.constant 0 : index
        %swap3A_143 = tpu.vector_load %arg12[%swap3A, %swap3A_142] {strides = array<i32>} : memref<200x64xf32, #tpu.memory_space<vmem>>, vector<1x16xf32>,
        %swap3A_144 = vector.shape_cast %swap3A_143 : vector<1x16xf32> to vector<16xf32>
        %swap3A_145 = vector.shape_cast %get3A_141 : vector<16xf32> to vector<1x16xf32>
        tpu.vector_store %arg12[%swap3A, %swap3A_142], %swap3A_145 {add = true, strides = array<i32>} : memref<200x64xf32, #tpu.memory_space<vmem>>, vector<1x16xf32>,
        %get3A_146 = arith.index_cast %scan3A_138 : i32 to index
        %get3A_147 = arith.constant 16 : index
        %get3A_148 = tpu.vector_load %arg14[%get3A_146, %get3A_147] {strides = array<i32>} : memref<200x64xf32, #tpu.memory_space<vmem>>, vector<1x16xf32>,
        %get3A_149 = vector.shape_cast %get3A_148 : vector<1x16xf32> to vector<16xf32>
        %swap3A_150 = arith.index_cast %scan3A_138 : i32 to index
        %swap3A_151 = arith.constant 16 : index
        %swap3A_152 = tpu.vector_load %arg12[%swap3A_150, %swap3A_151] {strides = array<i32>} : memref<200x64xf32, #tpu.memory_space<vmem>>, vector<1x16xf32>,
        %swap3A_153 = vector.shape_cast %swap3A_152 : vector<1x16xf32> to vector<16xf32>
        %swap3A_154 = vector.shape_cast %get3A_149 : vector<16xf32> to vector<1x16xf32>
        tpu.vector_store %arg12[%swap3A_150, %swap3A_151], %swap3A_154 {add = true, strides = array<i32>} : memref<200x64xf32, #tpu.memory_space<vmem>>, vector<1x16xf32>,
        %get3A_155 = arith.index_cast %scan3A_138 : i32 to index
        %get3A_156 = arith.constant 32 : index
        %get3A_157 = tpu.vector_load %arg14[%get3A_155, %get3A_156] {strides = array<i32>} : memref<200x64xf32, #tpu.memory_space<vmem>>, vector<1x16xf32>,
        %get3A_158 = vector.shape_cast %get3A_157 : vector<1x16xf32> to vector<16xf32>
        %swap3A_159 = arith.index_cast %scan3A_138 : i32 to index
        %swap3A_160 = arith.constant 32 : index
        %swap3A_161 = tpu.vector_load %arg12[%swap3A_159, %swap3A_160] {strides = array<i32>} : memref<200x64xf32, #tpu.memory_space<vmem>>, vector<1x16xf32>,
        %swap3A_162 = vector.shape_cast %swap3A_161 : vector<1x16xf32> to vector<16xf32>
        %swap3A_163 = vector.shape_cast %get3A_158 : vector<16xf32> to vector<1x16xf32>
        tpu.vector_store %arg12[%swap3A_159, %swap3A_160], %swap3A_163 {add = true, strides = array<i32>} : memref<200x64xf32, #tpu.memory_space<vmem>>, vector<1x16xf32>,
        %get3A_164 = arith.index_cast %scan3A_138 : i32 to index
        %get3A_165 = arith.constant 48 : index
        %get3A_166 = tpu.vector_load %arg14[%get3A_164, %get3A_165] {strides = array<i32>} : memref<200x64xf32, #tpu.memory_space<vmem>>, vector<1x16xf32>,
        %get3A_167 = vector.shape_cast %get3A_166 : vector<1x16xf32> to vector<16xf32>
        %swap3A_168 = arith.index_cast %scan3A_138 : i32 to index
        %swap3A_169 = arith.constant 48 : index
        %swap3A_170 = tpu.vector_load %arg12[%swap3A_168, %swap3A_169] {strides = array<i32>} : memref<200x64xf32, #tpu.memory_space<vmem>>, vector<1x16xf32>,
        %swap3A_171 = vector.shape_cast %swap3A_170 : vector<1x16xf32> to vector<16xf32>
        %swap3A_172 = vector.shape_cast %get3A_167 : vector<16xf32> to vector<1x16xf32>
        tpu.vector_store %arg12[%swap3A_168, %swap3A_169], %swap3A_172 {add = true, strides = array<i32>} : memref<200x64xf32, #tpu.memory_space<vmem>>, vector<1x16xf32>,
        %scan3A_173 = arith.constant 1 : i32
        %scan3A_174 = arith.addi %scan3A_138, %scan3A_173 : i32
        %get3A_175 = arith.index_cast %scan3A_174 : i32 to index
        %get3A_176 = arith.constant 0 : index
        %get3A_177 = tpu.vector_load %arg14[%get3A_175, %get3A_176] {strides = array<i32>} : memref<200x64xf32, #tpu.memory_space<vmem>>, vector<1x16xf32>,
        %get3A_178 = vector.shape_cast %get3A_177 : vector<1x16xf32> to vector<16xf32>
        %swap3A_179 = arith.index_cast %scan3A_174 : i32 to index
        %swap3A_180 = arith.constant 0 : index
        %swap3A_181 = tpu.vector_load %arg12[%swap3A_179, %swap3A_180] {strides = array<i32>} : memref<200x64xf32, #tpu.memory_space<vmem>>, vector<1x16xf32>,
        %swap3A_182 = vector.shape_cast %swap3A_181 : vector<1x16xf32> to vector<16xf32>
        %swap3A_183 = vector.shape_cast %get3A_178 : vector<16xf32> to vector<1x16xf32>
        tpu.vector_store %arg12[%swap3A_179, %swap3A_180], %swap3A_183 {add = true, strides = array<i32>} : memref<200x64xf32, #tpu.memory_space<vmem>>, vector<1x16xf32>,
        %get3A_184 = arith.index_cast %scan3A_174 : i32 to index
        %get3A_185 = arith.constant 16 : index
        %get3A_186 = tpu.vector_load %arg14[%get3A_184, %get3A_185] {strides = array<i32>} : memref<200x64xf32, #tpu.memory_space<vmem>>, vector<1x16xf32>,
        %get3A_187 = vector.shape_cast %get3A_186 : vector<1x16xf32> to vector<16xf32>
        %swap3A_188 = arith.index_cast %scan3A_174 : i32 to index
        %swap3A_189 = arith.constant 16 : index
        %swap3A_190 = tpu.vector_load %arg12[%swap3A_188, %swap3A_189] {strides = array<i32>} : memref<200x64xf32, #tpu.memory_space<vmem>>, vector<1x16xf32>,
        %swap3A_191 = vector.shape_cast %swap3A_190 : vector<1x16xf32> to vector<16xf32>
        %swap3A_192 = vector.shape_cast %get3A_187 : vector<16xf32> to vector<1x16xf32>
        tpu.vector_store %arg12[%swap3A_188, %swap3A_189], %swap3A_192 {add = true, strides = array<i32>} : memref<200x64xf32, #tpu.memory_space<vmem>>, vector<1x16xf32>,
        %get3A_193 = arith.index_cast %scan3A_174 : i32 to index
        %get3A_194 = arith.constant 32 : index
        %get3A_195 = tpu.vector_load %arg14[%get3A_193, %get3A_194] {strides = array<i32>} : memref<200x64xf32, #tpu.memory_space<vmem>>, vector<1x16xf32>,
        %get3A_196 = vector.shape_cast %get3A_195 : vector<1x16xf32> to vector<16xf32>
        %swap3A_197 = arith.index_cast %scan3A_174 : i32 to index
        %swap3A_198 = arith.constant 32 : index
        %swap3A_199 = tpu.vector_load %arg12[%swap3A_197, %swap3A_198] {strides = array<i32>} : memref<200x64xf32, #tpu.memory_space<vmem>>, vector<1x16xf32>,
        %swap3A_200 = vector.shape_cast %swap3A_199 : vector<1x16xf32> to vector<16xf32>
        %swap3A_201 = vector.shape_cast %get3A_196 : vector<16xf32> to vector<1x16xf32>
        tpu.vector_store %arg12[%swap3A_197, %swap3A_198], %swap3A_201 {add = true, strides = array<i32>} : memref<200x64xf32, #tpu.memory_space<vmem>>, vector<1x16xf32>,
        %get3A_202 = arith.index_cast %scan3A_174 : i32 to index
        %get3A_203 = arith.constant 48 : index
        %get3A_204 = tpu.vector_load %arg14[%get3A_202, %get3A_203] {strides = array<i32>} : memref<200x64xf32, #tpu.memory_space<vmem>>, vector<1x16xf32>,
        %get3A_205 = vector.shape_cast %get3A_204 : vector<1x16xf32> to vector<16xf32>
        %swap3A_206 = arith.index_cast %scan3A_174 : i32 to index
        %swap3A_207 = arith.constant 48 : index
        %swap3A_208 = tpu.vector_load %arg12[%swap3A_206, %swap3A_207] {strides = array<i32>} : memref<200x64xf32, #tpu.memory_space<vmem>>, vector<1x16xf32>,
        %swap3A_209 = vector.shape_cast %swap3A_208 : vector<1x16xf32> to vector<16xf32>
        %swap3A_210 = vector.shape_cast %get3A_205 : vector<16xf32> to vector<1x16xf32>
        tpu.vector_store %arg12[%swap3A_206, %swap3A_207], %swap3A_210 {add = true, strides = array<i32>} : memref<200x64xf32, #tpu.memory_space<vmem>>, vector<1x16xf32>,
        %scan3A_211 = arith.constant 2 : i32
        %scan3A_212 = arith.addi %scan3A_138, %scan3A_211 : i32
        %get3A_213 = arith.index_cast %scan3A_212 : i32 to index
        %get3A_214 = arith.constant 0 : index
        %get3A_215 = tpu.vector_load %arg14[%get3A_213, %get3A_214] {strides = array<i32>} : memref<200x64xf32, #tpu.memory_space<vmem>>, vector<1x16xf32>,
        %get3A_216 = vector.shape_cast %get3A_215 : vector<1x16xf32> to vector<16xf32>
        %swap3A_217 = arith.index_cast %scan3A_212 : i32 to index
        %swap3A_218 = arith.constant 0 : index
        %swap3A_219 = tpu.vector_load %arg12[%swap3A_217, %swap3A_218] {strides = array<i32>} : memref<200x64xf32, #tpu.memory_space<vmem>>, vector<1x16xf32>,
        %swap3A_220 = vector.shape_cast %swap3A_219 : vector<1x16xf32> to vector<16xf32>
        %swap3A_221 = vector.shape_cast %get3A_216 : vector<16xf32> to vector<1x16xf32>
        tpu.vector_store %arg12[%swap3A_217, %swap3A_218], %swap3A_221 {add = true, strides = array<i32>} : memref<200x64xf32, #tpu.memory_space<vmem>>, vector<1x16xf32>,
        %get3A_222 = arith.index_cast %scan3A_212 : i32 to index
        %get3A_223 = arith.constant 16 : index
        %get3A_224 = tpu.vector_load %arg14[%get3A_222, %get3A_223] {strides = array<i32>} : memref<200x64xf32, #tpu.memory_space<vmem>>, vector<1x16xf32>,
        %get3A_225 = vector.shape_cast %get3A_224 : vector<1x16xf32> to vector<16xf32>
        %swap3A_226 = arith.index_cast %scan3A_212 : i32 to index
        %swap3A_227 = arith.constant 16 : index
        %swap3A_228 = tpu.vector_load %arg12[%swap3A_226, %swap3A_227] {strides = array<i32>} : memref<200x64xf32, #tpu.memory_space<vmem>>, vector<1x16xf32>,
        %swap3A_229 = vector.shape_cast %swap3A_228 : vector<1x16xf32> to vector<16xf32>
        %swap3A_230 = vector.shape_cast %get3A_225 : vector<16xf32> to vector<1x16xf32>
        tpu.vector_store %arg12[%swap3A_226, %swap3A_227], %swap3A_230 {add = true, strides = array<i32>} : memref<200x64xf32, #tpu.memory_space<vmem>>, vector<1x16xf32>,
        %get3A_231 = arith.index_cast %scan3A_212 : i32 to index
        %get3A_232 = arith.constant 32 : index
        %get3A_233 = tpu.vector_load %arg14[%get3A_231, %get3A_232] {strides = array<i32>} : memref<200x64xf32, #tpu.memory_space<vmem>>, vector<1x16xf32>,
        %get3A_234 = vector.shape_cast %get3A_233 : vector<1x16xf32> to vector<16xf32>
        %swap3A_235 = arith.index_cast %scan3A_212 : i32 to index
        %swap3A_236 = arith.constant 32 : index
        %swap3A_237 = tpu.vector_load %arg12[%swap3A_235, %swap3A_236] {strides = array<i32>} : memref<200x64xf32, #tpu.memory_space<vmem>>, vector<1x16xf32>,
        %swap3A_238 = vector.shape_cast %swap3A_237 : vector<1x16xf32> to vector<16xf32>
        %swap3A_239 = vector.shape_cast %get3A_234 : vector<16xf32> to vector<1x16xf32>
        tpu.vector_store %arg12[%swap3A_235, %swap3A_236], %swap3A_239 {add = true, strides = array<i32>} : memref<200x64xf32, #tpu.memory_space<vmem>>, vector<1x16xf32>,
        %get3A_240 = arith.index_cast %scan3A_212 : i32 to index
        %get3A_241 = arith.constant 48 : index
        %get3A_242 = tpu.vector_load %arg14[%get3A_240, %get3A_241] {strides = array<i32>} : memref<200x64xf32, #tpu.memory_space<vmem>>, vector<1x16xf32>,
        %get3A_243 = vector.shape_cast %get3A_242 : vector<1x16xf32> to vector<16xf32>
        %swap3A_244 = arith.index_cast %scan3A_212 : i32 to index
        %swap3A_245 = arith.constant 48 : index
        %swap3A_246 = tpu.vector_load %arg12[%swap3A_244, %swap3A_245] {strides = array<i32>} : memref<200x64xf32, #tpu.memory_space<vmem>>, vector<1x16xf32>,
        %swap3A_247 = vector.shape_cast %swap3A_246 : vector<1x16xf32> to vector<16xf32>
        %swap3A_248 = vector.shape_cast %get3A_243 : vector<16xf32> to vector<1x16xf32>
        tpu.vector_store %arg12[%swap3A_244, %swap3A_245], %swap3A_248 {add = true, strides = array<i32>} : memref<200x64xf32, #tpu.memory_space<vmem>>, vector<1x16xf32>,
        %scan3A_249 = arith.constant 3 : i32
        %scan3A_250 = arith.addi %scan3A_138, %scan3A_249 : i32
        %get3A_251 = arith.index_cast %scan3A_250 : i32 to index
        %get3A_252 = arith.constant 0 : index
        %get3A_253 = tpu.vector_load %arg14[%get3A_251, %get3A_252] {strides = array<i32>} : memref<200x64xf32, #tpu.memory_space<vmem>>, vector<1x16xf32>,
        %get3A_254 = vector.shape_cast %get3A_253 : vector<1x16xf32> to vector<16xf32>
        %swap3A_255 = arith.index_cast %scan3A_250 : i32 to index
        %swap3A_256 = arith.constant 0 : index
        %swap3A_257 = tpu.vector_load %arg12[%swap3A_255, %swap3A_256] {strides = array<i32>} : memref<200x64xf32, #tpu.memory_space<vmem>>, vector<1x16xf32>,
        %swap3A_258 = vector.shape_cast %swap3A_257 : vector<1x16xf32> to vector<16xf32>
        %swap3A_259 = vector.shape_cast %get3A_254 : vector<16xf32> to vector<1x16xf32>
        tpu.vector_store %arg12[%swap3A_255, %swap3A_256], %swap3A_259 {add = true, strides = array<i32>} : memref<200x64xf32, #tpu.memory_space<vmem>>, vector<1x16xf32>,
        %get3A_260 = arith.index_cast %scan3A_250 : i32 to index
        %get3A_261 = arith.constant 16 : index
        %get3A_262 = tpu.vector_load %arg14[%get3A_260, %get3A_261] {strides = array<i32>} : memref<200x64xf32, #tpu.memory_space<vmem>>, vector<1x16xf32>,
        %get3A_263 = vector.shape_cast %get3A_262 : vector<1x16xf32> to vector<16xf32>
        %swap3A_264 = arith.index_cast %scan3A_250 : i32 to index
        %swap3A_265 = arith.constant 16 : index
        %swap3A_266 = tpu.vector_load %arg12[%swap3A_264, %swap3A_265] {strides = array<i32>} : memref<200x64xf32, #tpu.memory_space<vmem>>, vector<1x16xf32>,
        %swap3A_267 = vector.shape_cast %swap3A_266 : vector<1x16xf32> to vector<16xf32>
        %swap3A_268 = vector.shape_cast %get3A_263 : vector<16xf32> to vector<1x16xf32>
        tpu.vector_store %arg12[%swap3A_264, %swap3A_265], %swap3A_268 {add = true, strides = array<i32>} : memref<200x64xf32, #tpu.memory_space<vmem>>, vector<1x16xf32>,
        %get3A_269 = arith.index_cast %scan3A_250 : i32 to index
        %get3A_270 = arith.constant 32 : index
        %get3A_271 = tpu.vector_load %arg14[%get3A_269, %get3A_270] {strides = array<i32>} : memref<200x64xf32, #tpu.memory_space<vmem>>, vector<1x16xf32>,
        %get3A_272 = vector.shape_cast %get3A_271 : vector<1x16xf32> to vector<16xf32>
        %swap3A_273 = arith.index_cast %scan3A_250 : i32 to index
        %swap3A_274 = arith.constant 32 : index
        %swap3A_275 = tpu.vector_load %arg12[%swap3A_273, %swap3A_274] {strides = array<i32>} : memref<200x64xf32, #tpu.memory_space<vmem>>, vector<1x16xf32>,
        %swap3A_276 = vector.shape_cast %swap3A_275 : vector<1x16xf32> to vector<16xf32>
        %swap3A_277 = vector.shape_cast %get3A_272 : vector<16xf32> to vector<1x16xf32>
        tpu.vector_store %arg12[%swap3A_273, %swap3A_274], %swap3A_277 {add = true, strides = array<i32>} : memref<200x64xf32, #tpu.memory_space<vmem>>, vector<1x16xf32>,
        %get3A_278 = arith.index_cast %scan3A_250 : i32 to index
        %get3A_279 = arith.constant 48 : index
        %get3A_280 = tpu.vector_load %arg14[%get3A_278, %get3A_279] {strides = array<i32>} : memref<200x64xf32, #tpu.memory_space<vmem>>, vector<1x16xf32>,
        %get3A_281 = vector.shape_cast %get3A_280 : vector<1x16xf32> to vector<16xf32>
        %swap3A_282 = arith.index_cast %scan3A_250 : i32 to index
        %swap3A_283 = arith.constant 48 : index
        %swap3A_284 = tpu.vector_load %arg12[%swap3A_282, %swap3A_283] {strides = array<i32>} : memref<200x64xf32, #tpu.memory_space<vmem>>, vector<1x16xf32>,
        %swap3A_285 = vector.shape_cast %swap3A_284 : vector<1x16xf32> to vector<16xf32>
        %swap3A_286 = vector.shape_cast %get3A_281 : vector<16xf32> to vector<1x16xf32>
        tpu.vector_store %arg12[%swap3A_282, %swap3A_283], %swap3A_286 {add = true, strides = array<i32>} : memref<200x64xf32, #tpu.memory_space<vmem>>, vector<1x16xf32>,
      }
      %scan3A_103 = arith.constant 200 : i32
      %mul3A_104 = arith.constant 200 : i32
      %mul3A_105 = arith.muli %add3A_87, %mul3A_104 : i32
      %add3A_106 = arith.addi %mul3A_2, %mul3A_105 : i32
      %dma_start3A_107 = arith.constant 0 : i32
      %dma_start3A_108 = tpu.memref_slice %arg5[%add3A_106, %dma_start3A_107] : memref<819200x64xf32, #tpu.memory_space<hbm>> -> memref<200x64xf32, #tpu.memory_space<hbm>>
      %dma_start3A_109 = arith.constant 0 : i32
      %dma_start3A_110 = tpu.memref_slice %arg5[%add3A_106, %dma_start3A_109] : memref<819200x64xf32, #tpu.memory_space<hbm>> -> memref<200x64xf32, #tpu.memory_space<hbm>>
      tpu.enqueue_dma source(%arg12 : memref<200x64xf32, #tpu.memory_space<vmem>>) target(%dma_start3A_110 : memref<200x64xf32, #tpu.memory_space<hbm>>) target_semaphore(%arg21 : memref<!tpu.dma_semaphore, #tpu.memory_space<semaphore_mem>>)
      %mul3A_111 = arith.constant 4 : i32
      %mul3A_112 = arith.muli %scan3A_32, %mul3A_111 : i32
      %add3A_113 = arith.constant 3 : i32
      %add3A_114 = arith.addi %mul3A_112, %add3A_113 : i32
      %add3A_115 = arith.constant 2 : i32
      %add3A_116 = arith.addi %add3A_114, %add3A_115 : i32
      %lt3A_117 = arith.constant 128 : i32
      %lt3A_118 = arith.cmpi slt, %add3A_116, %lt3A_117 : i32
      %convert_element_type3A_119 = arith.extui %lt3A_118 : i1 to i32
      %cond3A_120 = arith.constant 0 : i32
      %cond3A_121 = arith.cmpi ne, %convert_element_type3A_119, %cond3A_120 : i32
      scf.if %cond3A_121 {
        %add3A_138 = arith.constant 2 : i32
        %add3A_139 = arith.addi %add3A_114, %add3A_138 : i32
        %mul3A_140 = arith.constant 200 : i32
        %mul3A_141 = arith.muli %add3A_139, %mul3A_140 : i32
        %add3A_142 = arith.addi %mul3A_2, %mul3A_141 : i32
        "tpu.region"() ({
          %run_scoped3A = tpu.sem_alloc : memref<!tpu.dma_semaphore, #tpu.memory_space<semaphore_mem>>
          %dma_start3A_153 = tpu.memref_slice %arg2[%add3A_142] : memref<819200xi32, #tpu.memory_space<hbm>> -> memref<200xi32, #tpu.memory_space<hbm>>
          %dma_start3A_154 = tpu.memref_slice %arg2[%add3A_142] : memref<819200xi32, #tpu.memory_space<hbm>> -> memref<200xi32, #tpu.memory_space<hbm>>
          tpu.enqueue_dma source(%dma_start3A_154 : memref<200xi32, #tpu.memory_space<hbm>>) target(%arg7 : memref<200xi32, #tpu.memory_space<vmem>>) target_semaphore(%run_scoped3A : memref<!tpu.dma_semaphore, #tpu.memory_space<semaphore_mem>>)
          %dma_wait3A_155 = tpu.memref_slice %arg2[%add3A_142] : memref<819200xi32, #tpu.memory_space<hbm>> -> memref<200xi32, #tpu.memory_space<hbm>>
          %dma_wait3A_156 = tpu.memref_slice %arg2[%add3A_142] : memref<819200xi32, #tpu.memory_space<hbm>> -> memref<200xi32, #tpu.memory_space<hbm>>
          tpu.wait_dma2 semaphore(%run_scoped3A : memref<!tpu.dma_semaphore, #tpu.memory_space<semaphore_mem>>) src(%dma_wait3A_156 : memref<200xi32, #tpu.memory_space<hbm>>) dst(%arg7 : memref<200xi32, #tpu.memory_space<vmem>>)
          tpu.yield
        }) : () -> ()
        %add3A_143 = arith.constant 2 : i32
        %add3A_144 = arith.addi %add3A_114, %add3A_143 : i32
        %sub3A = arith.constant 4 : i32
        %sub3A_145 = arith.subi %add3A_144, %sub3A : i32
        %ge3A = arith.constant 0 : i32
        %ge3A_146 = arith.cmpi sge, %sub3A_145, %ge3A : i32
        %convert_element_type3A_147 = arith.extui %ge3A_146 : i1 to i32
        %cond3A_148 = arith.constant 0 : i32
        %cond3A_149 = arith.cmpi ne, %convert_element_type3A_147, %cond3A_148 : i32
        scf.if %cond3A_149 {
          %dma_wait3A_153 = arith.constant 0 : i32
          %dma_wait3A_154 = tpu.memref_slice %arg5[%mul3A_2, %dma_wait3A_153] : memref<819200x64xf32, #tpu.memory_space<hbm>> -> memref<200x64xf32, #tpu.memory_space<hbm>>
          %dma_wait3A_155 = arith.constant 0 : i32
          %dma_wait3A_156 = tpu.memref_slice %arg5[%mul3A_2, %dma_wait3A_155] : memref<819200x64xf32, #tpu.memory_space<hbm>> -> memref<200x64xf32, #tpu.memory_space<hbm>>
          tpu.wait_dma2 semaphore(%arg20 : memref<!tpu.dma_semaphore, #tpu.memory_space<semaphore_mem>>) src(%arg11 : memref<200x64xf32, #tpu.memory_space<vmem>>) dst(%dma_wait3A_156 : memref<200x64xf32, #tpu.memory_space<hbm>>)
        } else {
        }
        %dma_start3A_150 = arith.constant 0 : i32
        %dma_start3A_151 = arith.constant 0 : i32
        %dma_start3A_152 = tpu.memref_slice %arg3[%dma_start3A_150, %dma_start3A_151] : memref<1000000x64xf32, #tpu.memory_space<hbm>> -> memref<1000000x64xf32, #tpu.memory_space<hbm>>
        tpu.enqueue_indirect_dma source(%dma_start3A_152 : memref<1000000x64xf32, #tpu.memory_space<hbm>>) target(%arg11 : memref<200x64xf32, #tpu.memory_space<vmem>>) offsets(%arg7 : memref<200xi32, #tpu.memory_space<vmem>>) semaphore(%arg16 : memref<!tpu.dma_semaphore, #tpu.memory_space<semaphore_mem>>)
      } else {
      }
      %dma_wait3A_122 = arith.constant 0 : i32
      %dma_wait3A_123 = arith.constant 0 : i32
      %dma_wait3A_124 = tpu.memref_slice %arg3[%dma_wait3A_122, %dma_wait3A_123] : memref<1000000x64xf32, #tpu.memory_space<hbm>> -> memref<1000000x64xf32, #tpu.memory_space<hbm>>
      tpu.wait_indirect_dma semaphore(%arg18 : memref<!tpu.dma_semaphore, #tpu.memory_space<semaphore_mem>>) src(%dma_wait3A_124 : memref<1000000x64xf32, #tpu.memory_space<hbm>>) dst(%arg13 : memref<200x64xf32, #tpu.memory_space<vmem>>)
      %scan3A_125 = arith.constant 0 : i32
      %scan3A_126 = arith.constant 0 : i32
      %scan3A_127 = arith.constant 200 : i32
      %scan3A_128 = arith.addi %scan3A_126, %scan3A_127 : i32
      %scan3A_129 = arith.constant 4 : i32
      scf.for %scan3A_138 = %scan3A_126 to %scan3A_128 step %scan3A_129  : i32 {
        %get3A = arith.index_cast %scan3A_138 : i32 to index
        %get3A_139 = arith.constant 0 : index
        %get3A_140 = tpu.vector_load %arg14[%get3A, %get3A_139] {strides = array<i32>} : memref<200x64xf32, #tpu.memory_space<vmem>>, vector<1x16xf32>,
        %get3A_141 = vector.shape_cast %get3A_140 : vector<1x16xf32> to vector<16xf32>
        %swap3A = arith.index_cast %scan3A_138 : i32 to index
        %swap3A_142 = arith.constant 0 : index
        %swap3A_143 = tpu.vector_load %arg13[%swap3A, %swap3A_142] {strides = array<i32>} : memref<200x64xf32, #tpu.memory_space<vmem>>, vector<1x16xf32>,
        %swap3A_144 = vector.shape_cast %swap3A_143 : vector<1x16xf32> to vector<16xf32>
        %swap3A_145 = vector.shape_cast %get3A_141 : vector<16xf32> to vector<1x16xf32>
        tpu.vector_store %arg13[%swap3A, %swap3A_142], %swap3A_145 {add = true, strides = array<i32>} : memref<200x64xf32, #tpu.memory_space<vmem>>, vector<1x16xf32>,
        %get3A_146 = arith.index_cast %scan3A_138 : i32 to index
        %get3A_147 = arith.constant 16 : index
        %get3A_148 = tpu.vector_load %arg14[%get3A_146, %get3A_147] {strides = array<i32>} : memref<200x64xf32, #tpu.memory_space<vmem>>, vector<1x16xf32>,
        %get3A_149 = vector.shape_cast %get3A_148 : vector<1x16xf32> to vector<16xf32>
        %swap3A_150 = arith.index_cast %scan3A_138 : i32 to index
        %swap3A_151 = arith.constant 16 : index
        %swap3A_152 = tpu.vector_load %arg13[%swap3A_150, %swap3A_151] {strides = array<i32>} : memref<200x64xf32, #tpu.memory_space<vmem>>, vector<1x16xf32>,
        %swap3A_153 = vector.shape_cast %swap3A_152 : vector<1x16xf32> to vector<16xf32>
        %swap3A_154 = vector.shape_cast %get3A_149 : vector<16xf32> to vector<1x16xf32>
        tpu.vector_store %arg13[%swap3A_150, %swap3A_151], %swap3A_154 {add = true, strides = array<i32>} : memref<200x64xf32, #tpu.memory_space<vmem>>, vector<1x16xf32>,
        %get3A_155 = arith.index_cast %scan3A_138 : i32 to index
        %get3A_156 = arith.constant 32 : index
        %get3A_157 = tpu.vector_load %arg14[%get3A_155, %get3A_156] {strides = array<i32>} : memref<200x64xf32, #tpu.memory_space<vmem>>, vector<1x16xf32>,
        %get3A_158 = vector.shape_cast %get3A_157 : vector<1x16xf32> to vector<16xf32>
        %swap3A_159 = arith.index_cast %scan3A_138 : i32 to index
        %swap3A_160 = arith.constant 32 : index
        %swap3A_161 = tpu.vector_load %arg13[%swap3A_159, %swap3A_160] {strides = array<i32>} : memref<200x64xf32, #tpu.memory_space<vmem>>, vector<1x16xf32>,
        %swap3A_162 = vector.shape_cast %swap3A_161 : vector<1x16xf32> to vector<16xf32>
        %swap3A_163 = vector.shape_cast %get3A_158 : vector<16xf32> to vector<1x16xf32>
        tpu.vector_store %arg13[%swap3A_159, %swap3A_160], %swap3A_163 {add = true, strides = array<i32>} : memref<200x64xf32, #tpu.memory_space<vmem>>, vector<1x16xf32>,
        %get3A_164 = arith.index_cast %scan3A_138 : i32 to index
        %get3A_165 = arith.constant 48 : index
        %get3A_166 = tpu.vector_load %arg14[%get3A_164, %get3A_165] {strides = array<i32>} : memref<200x64xf32, #tpu.memory_space<vmem>>, vector<1x16xf32>,
        %get3A_167 = vector.shape_cast %get3A_166 : vector<1x16xf32> to vector<16xf32>
        %swap3A_168 = arith.index_cast %scan3A_138 : i32 to index
        %swap3A_169 = arith.constant 48 : index
        %swap3A_170 = tpu.vector_load %arg13[%swap3A_168, %swap3A_169] {strides = array<i32>} : memref<200x64xf32, #tpu.memory_space<vmem>>, vector<1x16xf32>,
        %swap3A_171 = vector.shape_cast %swap3A_170 : vector<1x16xf32> to vector<16xf32>
        %swap3A_172 = vector.shape_cast %get3A_167 : vector<16xf32> to vector<1x16xf32>
        tpu.vector_store %arg13[%swap3A_168, %swap3A_169], %swap3A_172 {add = true, strides = array<i32>} : memref<200x64xf32, #tpu.memory_space<vmem>>, vector<1x16xf32>,
        %scan3A_173 = arith.constant 1 : i32
        %scan3A_174 = arith.addi %scan3A_138, %scan3A_173 : i32
        %get3A_175 = arith.index_cast %scan3A_174 : i32 to index
        %get3A_176 = arith.constant 0 : index
        %get3A_177 = tpu.vector_load %arg14[%get3A_175, %get3A_176] {strides = array<i32>} : memref<200x64xf32, #tpu.memory_space<vmem>>, vector<1x16xf32>,
        %get3A_178 = vector.shape_cast %get3A_177 : vector<1x16xf32> to vector<16xf32>
        %swap3A_179 = arith.index_cast %scan3A_174 : i32 to index
        %swap3A_180 = arith.constant 0 : index
        %swap3A_181 = tpu.vector_load %arg13[%swap3A_179, %swap3A_180] {strides = array<i32>} : memref<200x64xf32, #tpu.memory_space<vmem>>, vector<1x16xf32>,
        %swap3A_182 = vector.shape_cast %swap3A_181 : vector<1x16xf32> to vector<16xf32>
        %swap3A_183 = vector.shape_cast %get3A_178 : vector<16xf32> to vector<1x16xf32>
        tpu.vector_store %arg13[%swap3A_179, %swap3A_180], %swap3A_183 {add = true, strides = array<i32>} : memref<200x64xf32, #tpu.memory_space<vmem>>, vector<1x16xf32>,
        %get3A_184 = arith.index_cast %scan3A_174 : i32 to index
        %get3A_185 = arith.constant 16 : index
        %get3A_186 = tpu.vector_load %arg14[%get3A_184, %get3A_185] {strides = array<i32>} : memref<200x64xf32, #tpu.memory_space<vmem>>, vector<1x16xf32>,
        %get3A_187 = vector.shape_cast %get3A_186 : vector<1x16xf32> to vector<16xf32>
        %swap3A_188 = arith.index_cast %scan3A_174 : i32 to index
        %swap3A_189 = arith.constant 16 : index
        %swap3A_190 = tpu.vector_load %arg13[%swap3A_188, %swap3A_189] {strides = array<i32>} : memref<200x64xf32, #tpu.memory_space<vmem>>, vector<1x16xf32>,
        %swap3A_191 = vector.shape_cast %swap3A_190 : vector<1x16xf32> to vector<16xf32>
        %swap3A_192 = vector.shape_cast %get3A_187 : vector<16xf32> to vector<1x16xf32>
        tpu.vector_store %arg13[%swap3A_188, %swap3A_189], %swap3A_192 {add = true, strides = array<i32>} : memref<200x64xf32, #tpu.memory_space<vmem>>, vector<1x16xf32>,
        %get3A_193 = arith.index_cast %scan3A_174 : i32 to index
        %get3A_194 = arith.constant 32 : index
        %get3A_195 = tpu.vector_load %arg14[%get3A_193, %get3A_194] {strides = array<i32>} : memref<200x64xf32, #tpu.memory_space<vmem>>, vector<1x16xf32>,
        %get3A_196 = vector.shape_cast %get3A_195 : vector<1x16xf32> to vector<16xf32>
        %swap3A_197 = arith.index_cast %scan3A_174 : i32 to index
        %swap3A_198 = arith.constant 32 : index
        %swap3A_199 = tpu.vector_load %arg13[%swap3A_197, %swap3A_198] {strides = array<i32>} : memref<200x64xf32, #tpu.memory_space<vmem>>, vector<1x16xf32>,
        %swap3A_200 = vector.shape_cast %swap3A_199 : vector<1x16xf32> to vector<16xf32>
        %swap3A_201 = vector.shape_cast %get3A_196 : vector<16xf32> to vector<1x16xf32>
        tpu.vector_store %arg13[%swap3A_197, %swap3A_198], %swap3A_201 {add = true, strides = array<i32>} : memref<200x64xf32, #tpu.memory_space<vmem>>, vector<1x16xf32>,
        %get3A_202 = arith.index_cast %scan3A_174 : i32 to index
        %get3A_203 = arith.constant 48 : index
        %get3A_204 = tpu.vector_load %arg14[%get3A_202, %get3A_203] {strides = array<i32>} : memref<200x64xf32, #tpu.memory_space<vmem>>, vector<1x16xf32>,
        %get3A_205 = vector.shape_cast %get3A_204 : vector<1x16xf32> to vector<16xf32>
        %swap3A_206 = arith.index_cast %scan3A_174 : i32 to index
        %swap3A_207 = arith.constant 48 : index
        %swap3A_208 = tpu.vector_load %arg13[%swap3A_206, %swap3A_207] {strides = array<i32>} : memref<200x64xf32, #tpu.memory_space<vmem>>, vector<1x16xf32>,
        %swap3A_209 = vector.shape_cast %swap3A_208 : vector<1x16xf32> to vector<16xf32>
        %swap3A_210 = vector.shape_cast %get3A_205 : vector<16xf32> to vector<1x16xf32>
        tpu.vector_store %arg13[%swap3A_206, %swap3A_207], %swap3A_210 {add = true, strides = array<i32>} : memref<200x64xf32, #tpu.memory_space<vmem>>, vector<1x16xf32>,
        %scan3A_211 = arith.constant 2 : i32
        %scan3A_212 = arith.addi %scan3A_138, %scan3A_211 : i32
        %get3A_213 = arith.index_cast %scan3A_212 : i32 to index
        %get3A_214 = arith.constant 0 : index
        %get3A_215 = tpu.vector_load %arg14[%get3A_213, %get3A_214] {strides = array<i32>} : memref<200x64xf32, #tpu.memory_space<vmem>>, vector<1x16xf32>,
        %get3A_216 = vector.shape_cast %get3A_215 : vector<1x16xf32> to vector<16xf32>
        %swap3A_217 = arith.index_cast %scan3A_212 : i32 to index
        %swap3A_218 = arith.constant 0 : index
        %swap3A_219 = tpu.vector_load %arg13[%swap3A_217, %swap3A_218] {strides = array<i32>} : memref<200x64xf32, #tpu.memory_space<vmem>>, vector<1x16xf32>,
        %swap3A_220 = vector.shape_cast %swap3A_219 : vector<1x16xf32> to vector<16xf32>
        %swap3A_221 = vector.shape_cast %get3A_216 : vector<16xf32> to vector<1x16xf32>
        tpu.vector_store %arg13[%swap3A_217, %swap3A_218], %swap3A_221 {add = true, strides = array<i32>} : memref<200x64xf32, #tpu.memory_space<vmem>>, vector<1x16xf32>,
        %get3A_222 = arith.index_cast %scan3A_212 : i32 to index
        %get3A_223 = arith.constant 16 : index
        %get3A_224 = tpu.vector_load %arg14[%get3A_222, %get3A_223] {strides = array<i32>} : memref<200x64xf32, #tpu.memory_space<vmem>>, vector<1x16xf32>,
        %get3A_225 = vector.shape_cast %get3A_224 : vector<1x16xf32> to vector<16xf32>
        %swap3A_226 = arith.index_cast %scan3A_212 : i32 to index
        %swap3A_227 = arith.constant 16 : index
        %swap3A_228 = tpu.vector_load %arg13[%swap3A_226, %swap3A_227] {strides = array<i32>} : memref<200x64xf32, #tpu.memory_space<vmem>>, vector<1x16xf32>,
        %swap3A_229 = vector.shape_cast %swap3A_228 : vector<1x16xf32> to vector<16xf32>
        %swap3A_230 = vector.shape_cast %get3A_225 : vector<16xf32> to vector<1x16xf32>
        tpu.vector_store %arg13[%swap3A_226, %swap3A_227], %swap3A_230 {add = true, strides = array<i32>} : memref<200x64xf32, #tpu.memory_space<vmem>>, vector<1x16xf32>,
        %get3A_231 = arith.index_cast %scan3A_212 : i32 to index
        %get3A_232 = arith.constant 32 : index
        %get3A_233 = tpu.vector_load %arg14[%get3A_231, %get3A_232] {strides = array<i32>} : memref<200x64xf32, #tpu.memory_space<vmem>>, vector<1x16xf32>,
        %get3A_234 = vector.shape_cast %get3A_233 : vector<1x16xf32> to vector<16xf32>
        %swap3A_235 = arith.index_cast %scan3A_212 : i32 to index
        %swap3A_236 = arith.constant 32 : index
        %swap3A_237 = tpu.vector_load %arg13[%swap3A_235, %swap3A_236] {strides = array<i32>} : memref<200x64xf32, #tpu.memory_space<vmem>>, vector<1x16xf32>,
        %swap3A_238 = vector.shape_cast %swap3A_237 : vector<1x16xf32> to vector<16xf32>
        %swap3A_239 = vector.shape_cast %get3A_234 : vector<16xf32> to vector<1x16xf32>
        tpu.vector_store %arg13[%swap3A_235, %swap3A_236], %swap3A_239 {add = true, strides = array<i32>} : memref<200x64xf32, #tpu.memory_space<vmem>>, vector<1x16xf32>,
        %get3A_240 = arith.index_cast %scan3A_212 : i32 to index
        %get3A_241 = arith.constant 48 : index
        %get3A_242 = tpu.vector_load %arg14[%get3A_240, %get3A_241] {strides = array<i32>} : memref<200x64xf32, #tpu.memory_space<vmem>>, vector<1x16xf32>,
        %get3A_243 = vector.shape_cast %get3A_242 : vector<1x16xf32> to vector<16xf32>
        %swap3A_244 = arith.index_cast %scan3A_212 : i32 to index
        %swap3A_245 = arith.constant 48 : index
        %swap3A_246 = tpu.vector_load %arg13[%swap3A_244, %swap3A_245] {strides = array<i32>} : memref<200x64xf32, #tpu.memory_space<vmem>>, vector<1x16xf32>,
        %swap3A_247 = vector.shape_cast %swap3A_246 : vector<1x16xf32> to vector<16xf32>
        %swap3A_248 = vector.shape_cast %get3A_243 : vector<16xf32> to vector<1x16xf32>
        tpu.vector_store %arg13[%swap3A_244, %swap3A_245], %swap3A_248 {add = true, strides = array<i32>} : memref<200x64xf32, #tpu.memory_space<vmem>>, vector<1x16xf32>,
        %scan3A_249 = arith.constant 3 : i32
        %scan3A_250 = arith.addi %scan3A_138, %scan3A_249 : i32
        %get3A_251 = arith.index_cast %scan3A_250 : i32 to index
        %get3A_252 = arith.constant 0 : index
        %get3A_253 = tpu.vector_load %arg14[%get3A_251, %get3A_252] {strides = array<i32>} : memref<200x64xf32, #tpu.memory_space<vmem>>, vector<1x16xf32>,
        %get3A_254 = vector.shape_cast %get3A_253 : vector<1x16xf32> to vector<16xf32>
        %swap3A_255 = arith.index_cast %scan3A_250 : i32 to index
        %swap3A_256 = arith.constant 0 : index
        %swap3A_257 = tpu.vector_load %arg13[%swap3A_255, %swap3A_256] {strides = array<i32>} : memref<200x64xf32, #tpu.memory_space<vmem>>, vector<1x16xf32>,
        %swap3A_258 = vector.shape_cast %swap3A_257 : vector<1x16xf32> to vector<16xf32>
        %swap3A_259 = vector.shape_cast %get3A_254 : vector<16xf32> to vector<1x16xf32>
        tpu.vector_store %arg13[%swap3A_255, %swap3A_256], %swap3A_259 {add = true, strides = array<i32>} : memref<200x64xf32, #tpu.memory_space<vmem>>, vector<1x16xf32>,
        %get3A_260 = arith.index_cast %scan3A_250 : i32 to index
        %get3A_261 = arith.constant 16 : index
        %get3A_262 = tpu.vector_load %arg14[%get3A_260, %get3A_261] {strides = array<i32>} : memref<200x64xf32, #tpu.memory_space<vmem>>, vector<1x16xf32>,
        %get3A_263 = vector.shape_cast %get3A_262 : vector<1x16xf32> to vector<16xf32>
        %swap3A_264 = arith.index_cast %scan3A_250 : i32 to index
        %swap3A_265 = arith.constant 16 : index
        %swap3A_266 = tpu.vector_load %arg13[%swap3A_264, %swap3A_265] {strides = array<i32>} : memref<200x64xf32, #tpu.memory_space<vmem>>, vector<1x16xf32>,
        %swap3A_267 = vector.shape_cast %swap3A_266 : vector<1x16xf32> to vector<16xf32>
        %swap3A_268 = vector.shape_cast %get3A_263 : vector<16xf32> to vector<1x16xf32>
        tpu.vector_store %arg13[%swap3A_264, %swap3A_265], %swap3A_268 {add = true, strides = array<i32>} : memref<200x64xf32, #tpu.memory_space<vmem>>, vector<1x16xf32>,
        %get3A_269 = arith.index_cast %scan3A_250 : i32 to index
        %get3A_270 = arith.constant 32 : index
        %get3A_271 = tpu.vector_load %arg14[%get3A_269, %get3A_270] {strides = array<i32>} : memref<200x64xf32, #tpu.memory_space<vmem>>, vector<1x16xf32>,
        %get3A_272 = vector.shape_cast %get3A_271 : vector<1x16xf32> to vector<16xf32>
        %swap3A_273 = arith.index_cast %scan3A_250 : i32 to index
        %swap3A_274 = arith.constant 32 : index
        %swap3A_275 = tpu.vector_load %arg13[%swap3A_273, %swap3A_274] {strides = array<i32>} : memref<200x64xf32, #tpu.memory_space<vmem>>, vector<1x16xf32>,
        %swap3A_276 = vector.shape_cast %swap3A_275 : vector<1x16xf32> to vector<16xf32>
        %swap3A_277 = vector.shape_cast %get3A_272 : vector<16xf32> to vector<1x16xf32>
        tpu.vector_store %arg13[%swap3A_273, %swap3A_274], %swap3A_277 {add = true, strides = array<i32>} : memref<200x64xf32, #tpu.memory_space<vmem>>, vector<1x16xf32>,
        %get3A_278 = arith.index_cast %scan3A_250 : i32 to index
        %get3A_279 = arith.constant 48 : index
        %get3A_280 = tpu.vector_load %arg14[%get3A_278, %get3A_279] {strides = array<i32>} : memref<200x64xf32, #tpu.memory_space<vmem>>, vector<1x16xf32>,
        %get3A_281 = vector.shape_cast %get3A_280 : vector<1x16xf32> to vector<16xf32>
        %swap3A_282 = arith.index_cast %scan3A_250 : i32 to index
        %swap3A_283 = arith.constant 48 : index
        %swap3A_284 = tpu.vector_load %arg13[%swap3A_282, %swap3A_283] {strides = array<i32>} : memref<200x64xf32, #tpu.memory_space<vmem>>, vector<1x16xf32>,
        %swap3A_285 = vector.shape_cast %swap3A_284 : vector<1x16xf32> to vector<16xf32>
        %swap3A_286 = vector.shape_cast %get3A_281 : vector<16xf32> to vector<1x16xf32>
        tpu.vector_store %arg13[%swap3A_282, %swap3A_283], %swap3A_286 {add = true, strides = array<i32>} : memref<200x64xf32, #tpu.memory_space<vmem>>, vector<1x16xf32>,
      }
      %scan3A_130 = arith.constant 200 : i32
      %mul3A_131 = arith.constant 200 : i32
      %mul3A_132 = arith.muli %add3A_114, %mul3A_131 : i32
      %add3A_133 = arith.addi %mul3A_2, %mul3A_132 : i32
      %dma_start3A_134 = arith.constant 0 : i32
      %dma_start3A_135 = tpu.memref_slice %arg5[%add3A_133, %dma_start3A_134] : memref<819200x64xf32, #tpu.memory_space<hbm>> -> memref<200x64xf32, #tpu.memory_space<hbm>>
      %dma_start3A_136 = arith.constant 0 : i32
      %dma_start3A_137 = tpu.memref_slice %arg5[%add3A_133, %dma_start3A_136] : memref<819200x64xf32, #tpu.memory_space<hbm>> -> memref<200x64xf32, #tpu.memory_space<hbm>>
      tpu.enqueue_dma source(%arg13 : memref<200x64xf32, #tpu.memory_space<vmem>>) target(%dma_start3A_137 : memref<200x64xf32, #tpu.memory_space<hbm>>) target_semaphore(%arg22 : memref<!tpu.dma_semaphore, #tpu.memory_space<semaphore_mem>>)
    }
    %scan3A_16 = arith.constant 32 : i32
    %dma_wait3A = arith.constant 0 : i32
    %dma_wait3A_17 = tpu.memref_slice %arg5[%mul3A_2, %dma_wait3A] : memref<819200x64xf32, #tpu.memory_space<hbm>> -> memref<200x64xf32, #tpu.memory_space<hbm>>
    %dma_wait3A_18 = arith.constant 0 : i32
    %dma_wait3A_19 = tpu.memref_slice %arg5[%mul3A_2, %dma_wait3A_18] : memref<819200x64xf32, #tpu.memory_space<hbm>> -> memref<200x64xf32, #tpu.memory_space<hbm>>
    tpu.wait_dma2 semaphore(%arg19 : memref<!tpu.dma_semaphore, #tpu.memory_space<semaphore_mem>>) src(%arg10 : memref<200x64xf32, #tpu.memory_space<vmem>>) dst(%dma_wait3A_19 : memref<200x64xf32, #tpu.memory_space<hbm>>)
    %dma_wait3A_20 = arith.constant 0 : i32
    %dma_wait3A_21 = tpu.memref_slice %arg5[%mul3A_2, %dma_wait3A_20] : memref<819200x64xf32, #tpu.memory_space<hbm>> -> memref<200x64xf32, #tpu.memory_space<hbm>>
    %dma_wait3A_22 = arith.constant 0 : i32
    %dma_wait3A_23 = tpu.memref_slice %arg5[%mul3A_2, %dma_wait3A_22] : memref<819200x64xf32, #tpu.memory_space<hbm>> -> memref<200x64xf32, #tpu.memory_space<hbm>>
    tpu.wait_dma2 semaphore(%arg20 : memref<!tpu.dma_semaphore, #tpu.memory_space<semaphore_mem>>) src(%arg11 : memref<200x64xf32, #tpu.memory_space<vmem>>) dst(%dma_wait3A_23 : memref<200x64xf32, #tpu.memory_space<hbm>>)
    %dma_wait3A_24 = arith.constant 0 : i32
    %dma_wait3A_25 = tpu.memref_slice %arg5[%mul3A_2, %dma_wait3A_24] : memref<819200x64xf32, #tpu.memory_space<hbm>> -> memref<200x64xf32, #tpu.memory_space<hbm>>
    %dma_wait3A_26 = arith.constant 0 : i32
    %dma_wait3A_27 = tpu.memref_slice %arg5[%mul3A_2, %dma_wait3A_26] : memref<819200x64xf32, #tpu.memory_space<hbm>> -> memref<200x64xf32, #tpu.memory_space<hbm>>
    tpu.wait_dma2 semaphore(%arg21 : memref<!tpu.dma_semaphore, #tpu.memory_space<semaphore_mem>>) src(%arg12 : memref<200x64xf32, #tpu.memory_space<vmem>>) dst(%dma_wait3A_27 : memref<200x64xf32, #tpu.memory_space<hbm>>)
    %dma_wait3A_28 = arith.constant 0 : i32
    %dma_wait3A_29 = tpu.memref_slice %arg5[%mul3A_2, %dma_wait3A_28] : memref<819200x64xf32, #tpu.memory_space<hbm>> -> memref<200x64xf32, #tpu.memory_space<hbm>>
    %dma_wait3A_30 = arith.constant 0 : i32
    %dma_wait3A_31 = tpu.memref_slice %arg5[%mul3A_2, %dma_wait3A_30] : memref<819200x64xf32, #tpu.memory_space<hbm>> -> memref<200x64xf32, #tpu.memory_space<hbm>>
    tpu.wait_dma2 semaphore(%arg22 : memref<!tpu.dma_semaphore, #tpu.memory_space<semaphore_mem>>) src(%arg13 : memref<200x64xf32, #tpu.memory_space<vmem>>) dst(%dma_wait3A_31 : memref<200x64xf32, #tpu.memory_space<hbm>>)
    return
  }
}

</mosaic_0001>

<sc_bundles>
// kernel: kernel.3.cloned.1.call-start
scs
__scs_entry_jumppad:
0x0: {  	(pc) =	sbr.rel $0x88, $3  }
0x1: {  	(tag) =	ssettag $0x0;
	lr =	simm.s32 $0x1  }
0x2: {  	[smem:$0x3F9E] =	sst lr;
	_ =	strace $0xD0000000  }
0x3: {  	_ = 	snop  }
0x4: {  	_ = 	snop  }
0x5: {  	_ = 	snop  }
0x6: {  	_ = 	snop  }
0x7: {  	_ = 	snop  }
__scs_overlays_trampoline_lowered:
0x8: {  	[smem:$0x3FAD] =	sst s0  }
0x9: {  	[smem:$0x3FAE] =	sst s1  }
0xa: {  	[smem:$0x3FAF] =	sst s2  }
0xb: {  	[smem:$0x3FB0] =	sst s3  }
0xc: {  	[smem:$0x3FB1] =	sst s4  }
0xd: {  	[smem:$0x3FB2] =	sst s5  }
0xe: {  	[smem:$0x3FB3] =	sst s6  }
0xf: {  	[smem:$0x3FB4] =	sst s7  }
0x10: {  	[smem:$0x3FB5] =	sst s8  }
0x11: {  	[smem:$0x3FB6] =	sst s9;
	s0 =	simm.s32 @!p0 $0x0  }
0x12: {  	s1 =	sld [smem:$0x3F9C];
	s0 =	simm.s32 @p0 $0x1  }
0x13: {  	[smem:$0x3FB7] =	sst s0;
	s0 =	simm.s32 @!p1 $0x0  }
0x14: {  	s2 =	sld [smem:$0x3F9B];
	s0 =	simm.s32 @p1 $0x1  }
0x15: {  	[smem:$0x3FB8] =	sst s0;
	s0 =	simm.s32 @!p2 $0x0  }
0x16: {  	s3 =	sld [smem:$0x3FDB];
	s0 =	simm.s32 @p2 $0x1  }
0x17: {  	s4 =	simm.s32 $0x1BF5;
	[smem:$0x3FBA] =	sst s0  }
0x18: {  	s0 =	sld [smem:$0x3F9D];
	_ =	swait.ge [sflag:s4], $0x0  }
0x19: {  	s7 =	sld [smem:$0x3F9E]  }
0x1a: {  	s8 =	sadd.s32 $0xFFFFE003, lr  }
0x1b: {  	s9 =	sadd.s32 $0xFFFFFEF7, lr;
	s5 =	simm.s32 $0xFFFFFFFF;
	p2 =	slt.u32 s8, $0xFFFFF086  }
0x1c: {  	p1 =	slt.u32 s9, $0xF7A;
	s5 =	simm.s32 @!p2 $0x0  }
0x1d: {  	s5 =	simm.s32 @p1 $0x1;
	p0 =	seq.s32 s7, s2  }
0x1e: {  	s7 =	smul.u32 @!p0 $0xF7A, s2;
	p2 =	seq.s32 @!p0 s5, $0x0  }
0x1f: {  	s9 =	smul.u32 $0xF7A, s1;
	s8 =	simm.s32 @!p0 $0x1BF5;
	p2 =	por !p2, p0  }
0x20: {  	[sflag:s8] =	ssyncset.s32 @!p0 $0xFFFFF086;
	s6 =	sadd.s32 @!p0 s3, s7;
	s7 =	simm.s32 @!p0 $0x108  }
0x21: {  	s3 =	sadd.s32 s3, s9;
	s6 =	sadd.s32 @!p0 $0x88, s6;
	s7 =	simm.s32 @p2 $0x1082  }
0x22: {  	[simem:s7], [sflag:s8] =	dma.local @!p0 [hbm:s6], $0xF7A  }
0x23: {  	s9 =	sor.u32 $0xD0000000, s2;
	s6 =	simm.s32 $0x108;
	_ =	swait.ge @!p0 [sflag:s8], $0x0  }
0x24: {  	s3 =	sadd.s32 $0x88, s3;
	s6 =	simm.s32 @!p1 $0x1082;
	[sflag:s4] =	ssyncset.s32 $0xFFFFF086  }
0x25: {  	[simem:s6], [sflag:s4] =	dma.local [hbm:s3], $0xF7A  }
0x26: {  	[smem:$0x3F9E] =	sst s1;
	(tag) =	ssettag s2;
	_ =	strace s9  }
0x27: {  	s1 =	sld [smem:$0x3FAE]  }
0x28: {  	s2 =	sld [smem:$0x3FAF]  }
0x29: {  	s4 =	sld [smem:$0x3FB1]  }
0x2a: {  	p0 =	seq.s32 s5, $0x0;
	s5 =	sld [smem:$0x3FB2]  }
0x2b: {  	s6 =	sld [smem:$0x3FB3]  }
0x2c: {  	s7 =	sld [smem:$0x3FB4]  }
0x2d: {  	s3 =	simm.s32 $0x108;
	s8 =	sld [smem:$0x3FB5]  }
0x2e: {  	s3 =	simm.s32 @!p0 $0x1082;
	s9 =	sld [smem:$0x3FB6]  }
0x2f: {  	lr =	sadd.s32 s0, s3;
	s0 =	sld [smem:$0x3FAD]  }
0x30: {  	s3 =	sld [smem:$0x3FB0]  }
0x31: {  	[smem:$0x3FB9] =	sst s10  }
0x32: {  	s10 =	sld [smem:$0x3FB7];
	_ =	sdelay $0x3  }
0x33: {  	p0 =	seq.s32 s10, $0x1;
	s10 =	sld [smem:$0x3FB9];
	_ =	sdelay $0x3  }
0x34: {  	[smem:$0x3FB9] =	sst s10  }
0x35: {  	s10 =	sld [smem:$0x3FB8];
	_ =	sdelay $0x3  }
0x36: {  	p1 =	seq.s32 s10, $0x1;
	s10 =	sld [smem:$0x3FB9];
	_ =	sdelay $0x3  }
0x37: {  	[smem:$0x3FB9] =	sst s10  }
0x38: {  	s10 =	sld [smem:$0x3FBA]  }
0x39: {  	_ = 	snop;
	(pc) =	sbr.ind lr, $3  }
0x3a: {  	_ = 	snop  }
0x3b: {  	_ = 	snop  }
0x3c: {  	p2 =	seq.s32 s10, $0x1;
	s10 =	sld [smem:$0x3FB9]  }
0x3d: {  	_ =	shalt  }
0x3e: {  	_ =	shalt  }
0x3f: {  	_ =	shalt  }
0x40: {  	_ =	shalt  }
0x41: {  	_ =	shalt  }
0x42: {  	_ =	shalt  }
0x43: {  	_ =	shalt  }
0x44: {  	_ =	shalt  }
0x45: {  	_ =	shalt  }
0x46: {  	_ =	shalt  }
0x47: {  	_ =	shalt  }
0x48: {  	_ =	shalt  }
0x49: {  	_ =	shalt  }
0x4a: {  	_ =	shalt  }
0x4b: {  	_ =	shalt  }
0x4c: {  	_ =	shalt  }
0x4d: {  	_ =	shalt  }
0x4e: {  	_ =	shalt  }
0x4f: {  	_ =	shalt  }
0x50: {  	_ =	shalt  }
0x51: {  	_ =	shalt  }
0x52: {  	_ =	shalt  }
0x53: {  	_ =	shalt  }
0x54: {  	_ =	shalt  }
0x55: {  	_ =	shalt  }
0x56: {  	_ =	shalt  }
0x57: {  	_ =	shalt  }
0x58: {  	_ =	shalt  }
0x59: {  	_ =	shalt  }
0x5a: {  	_ =	shalt  }
0x5b: {  	_ =	shalt  }
0x5c: {  	_ =	shalt  }
0x5d: {  	_ =	shalt  }
0x5e: {  	_ =	shalt  }
0x5f: {  	_ =	shalt  }
0x60: {  	_ =	shalt  }
0x61: {  	_ =	shalt  }
0x62: {  	_ =	shalt  }
0x63: {  	_ =	shalt  }
0x64: {  	_ =	shalt  }
0x65: {  	_ =	shalt  }
0x66: {  	_ =	shalt  }
0x67: {  	_ =	shalt  }
0x68: {  	_ =	shalt  }
0x69: {  	_ =	shalt  }
0x6a: {  	_ =	shalt  }
0x6b: {  	_ =	shalt  }
0x6c: {  	_ =	shalt  }
0x6d: {  	_ =	shalt  }
0x6e: {  	_ =	shalt  }
0x6f: {  	_ =	shalt  }
0x70: {  	_ =	shalt  }
0x71: {  	_ =	shalt  }
0x72: {  	_ =	shalt  }
0x73: {  	_ =	shalt  }
0x74: {  	_ =	shalt  }
0x75: {  	_ =	shalt  }
0x76: {  	_ =	shalt  }
0x77: {  	_ =	shalt  }
0x78: {  	_ =	shalt  }
0x79: {  	_ =	shalt  }
0x7a: {  	_ =	shalt  }
0x7b: {  	_ =	shalt  }
0x7c: {  	_ =	shalt  }
0x7d: {  	_ =	shalt  }
0x7e: {  	_ =	shalt  }
0x7f: {  	_ =	shalt  }
0x80: {  	_ =	shalt  }
0x81: {  	_ =	shalt  }
0x82: {  	_ =	shalt  }
0x83: {  	_ =	shalt  }
0x84: {  	_ =	shalt  }
0x85: {  	_ =	shalt  }
0x86: {  	_ =	shalt  }
0x87: {  	_ =	shalt  }
.Lfunc_end0:
.L_simem_size_0:
called_computation.1_lowered:
.L_overlay_start_0:
0x88: {  	s2 =	sld [smem:$0x3FD9]  }
0x89: {  	s3 =	sld [smem:$0x3FFE];
	_ =	sdelay $0x1  }
0x8a: {  	s1 =	srdreg.scid  }
0x8b: {  	s0 =	sand.u32 $0x1, s1  }
0x8c: {  	s17 =	sshll.u32 s0, $0xA;
	s2 =	sadd.s32 s3, s2  }
0x8d: {  	s2 =	sadd.s32 s2, s17  }
0x8e: {  	[smem:$0x3FC5] =	sst s2  }
0x8f: {  	_ = 	snop  }
0x90: {  	s2 =	sld [smem:$0x3FD0];
	(tm) =	ssettm $0x1  }
0x91: {  	s18 =	sld [smem:$0x3FFB];
	_ =	sdelay $0x3  }
0x92: {  	_ =	strace s18  }
0x93: {  	s3 =	sld [smem:$0x3FFC];
	_ =	sdelay $0x3  }
0x94: {  	_ =	strace s3  }
0x95: {  	s3 =	sld [smem:$0x3FFD];
	_ =	sdelay $0x3  }
0x96: {  	_ =	strace s3  }
0x97: {  	_ =	strace $0x8FFFFFFF  }
0x98: {  	s19 =	sld [smem:$0x3FDB];
	_ =	sdelay $0x1  }
0x99: {  	s4 =	simm.s32 $_scs_section_size  }
0x9a: {  	s5 =	simm.s32 $_size__tile_overlayer_lowered;
	s6 =	simm.s32 $_tile_overlayer_lowered  }
0x9b: {  	s22 =	simm.s32 $0x1BFF;
	s21 =	sshll.u32 s6, $0x1;
	s3 =	sadd.s32 s4, s19  }
0x9c: {  	s7 =	simm.s32 $0x0;
	s20 =	sshll.u32 s5, $0x1;
	s5 =	sadd.s32 s21, s3  }
0x9d: {  	[timem:s7], [sflag:s22] =	dma.local [hbm:s5], s20  }
0x9e: {  	_ =	swait.ge [sflag:s22], s20  }
0x9f: {  	s4 =	ssub.s32 $0x0, s20;
	[sflag:s22] =	ssyncset.done $0x0  }
0xa0: {  	[sflag:s22] =	ssyncadd.s32 s4;
	_ =	sdelay $0x1  }
0xa1: {  	s23 =	simm.s32 $0x1B8B  }
0xa2: {  	_ =	swait.ge [sflag:s23], $0x1  }
0xa3: {  	[sflag:s23] =	ssyncset.done $0x0  }
0xa4: {  	s25 =	simm.s32 $0x1B8E;
	s24 =	sld [smem:$0x3FFE];
	[sflag:s23] =	ssyncadd.s32 $0xFFFFFFFF  }
0xa5: {  	s26 =	simm.s32 $execute0_lowered;
	[smem:$0x3FD2] =	sst s25  }
0xa6: {  	s5 =	sshll.u32 s26, $0x1;
	_ =	strace $0x80000046;
	[dreg:$0x1] =	wrdreg $0xFFFFFFFF  }
0xa7: {  	s28 =	simm.s32 $_size_execute0_lowered;
	s3 =	sadd.s32 s3, s5;
	[dreg:$0x0] =	wrdreg $0x0  }
0xa8: {  	s5 =	sshll.u32 s28, $0x1;
	[dreg:$0x2] =	wrdreg s3  }
0xa9: {  	[dreg:$0x3] =	wrdreg s5  }
0xaa: {  	[dreg:$0x4] =	wrdreg $0xC0  }
0xab: {  	_ =	task [dreg:s7], $0x5FFFF  }
0xac: {  	[dreg:$0x1] =	wrdreg $0xFFFFFFFF  }
0xad: {  	[dreg:$0x0] =	wrdreg $0x60  }
0xae: {  	[dreg:$0x2] =	wrdreg s24  }
0xaf: {  	[dreg:$0x3] =	wrdreg s2  }
0xb0: {  	[dreg:$0x4] =	wrdreg $0x9  }
0xb1: {  	_ =	task.clear_ibuf [dreg:s7], $0x5FFFF;
	_ =	strace $0x90000046  }
0xb2: {  	s29 =	simm.s32 $0x9;
	_ =	strace $0x80000048  }
0xb3: {  	_ =	swait.ge [sflag:s29], $0x1  }
0xb4: {  	[sflag:s29] =	ssyncadd.s32 $0xFFFFFFFF  }
0xb5: {  	_ =	strace $0x90000048  }
0xb6: {  	_ =	sfence  }
0xb7: {  	s30 =	sld [smem:$0x0];
	_ =	sdelay $0x2  }
0xb8: {  	s31 =	sshll.u32 s1, $0xD;
	s1 =	sshrl.u32 s1, $0x2  }
0xb9: {  	s3 =	sand.u32 $0x4000, s31;
	s1 =	sadd.s32 s1, s30  }
0xba: {  	s0 =	sor.u32 s3, s0;
	s1 =	sshll.u32 s1, $0x11  }
0xbb: {  	s0 =	sor.u32 s1, s0  }
0xbc: {  	s0 =	sadd.s32 $0x8F2B, s0  }
0xbd: {  	[sflag:s0] =	ssyncadd.remote.s32 $0x1  }
0xbe: {  	_ =	sfence.sel $0xFFFF  }
0xbf: {  	[dreg:$0x0] =	wrdreg $0xFFFFFFFF;
	(pc) =	sbr.abs _section_cstart, $3  }
0xc0: {  	[dreg:$0x1] =	wrdreg $0xFFFFFFFF  }
0xc1: {  	_ =	task.clear_ibuf [dreg:s7], $0x2FFFF;
	_ =	strace $0x9FFFFFFF  }
0xc2: {  	(tm) =	ssettm $0x7FFFFFFF  }
0xc3: {  	_ =	shalt  }
tec
execute0_lowered:
.L_overlay_start_1:
0x0: {  	(tag) =	ssettag $0x1  }
0x1: {  	s0 =	rddreg [dreg:$0x0];
	s1 =	srdreg.scid  }
0x2: {  	s3 =	stileid.u32;
	s2 =	rddreg [dreg:$0x1];
	s17 =	simm.s32 $0x9  }
0x3: {  	s18 =	simm.s32 $0xC8;
	s19 =	simm.s32 $0x320;
	s20 =	simm.s32 $0x3520  }
0x4: {  	s21 =	simm.s32 $0x190;
	s22 =	simm.s32 $0x6720;
	s23 =	simm.s32 $0x1  }
0x5: {  	s24 =	simm.s32 $0x258;
	s25 =	simm.s32 $0x9920;
	s26 =	simm.s32 $0x2  }
0x6: {  	s28 =	simm.s32 $0x3;
	s29 =	simm.s32 $0x4;
	s16 =	simm.s32 $0x0  }
0x7: {  	s1 =	sand.u32 $0x1, s1;
	s4 =	sshll.u32 s3, $0x1;
	s3 =	simm.s32 $0x0  }
0x8: {  	s5 =	sadd.s32 $0xC00, s0;
	s6 =	sadd.s32 $0xF43000, s0;
	s4 =	sor.u32 s1, s4  }
0x9: {  	[smem:$0x7FF] =	sst s3;
	s1 =	ssub.s32 $0x2, s1;
	s4 =	smul.u32 $0x6400, s4  }
0xa: {  	s0 =	sadd.s32 $0x19C00, s0;
	_ =	strace $0x80000047;
	s8 =	sshrl.u32 s1, $0x1  }
0xb: {  	[dreg:$0x4] =	wrdreg s0;
	s30 =	ssub.s32 s1, s8;
	s7 =	sshrl.u32 s4, $0x3  }
0xc: {  	s10 =	sor.u32 $0x190, s4;
	s11 =	sor.u32 $0x258, s4;
	s0 =	smax.u32 s30, $0x1  }
0xd: {  	s12 =	sor.u32 $0xC8, s4;
	s7 =	sadd.s32 s5, s7;
	[dreg:$0x6] =	wrdreg s0  }
0xe: {  	s13 =	sor.u32 $0x320, s4;
	[dreg:$0x3] =	wrdreg s7;
	s31 =	sadd.s32 $0x19, s7  }
0xf: {  	s14 =	sor.u32 $0x3E8, s4;
	s0 =	simm.s32 $0x8;
	[dreg:$0x5] =	wrdreg s31  }
.LBB2_1:
0x10: {  	s1 =	rddreg [dreg:$0x4];
	s7 =	simm.s32 $0xCB20  }
0x11: {  	[tilespmem:s7], [sflag:$0x9] =	stream.linear.gather [hbm4b:s1+s3], $0x3200, $0x38;
	[tilespmem:$0xFD20] =	vst v63  }
0x12: {  	_ =	swait.ge [sflag:s17], $0x3200  }
0x13: {  	[sflag:s17] =	ssyncset.done $0x0  }
0x14: {  	s30 =	rddreg [dreg:$0x3];
	[sflag:s17] =	ssyncadd.s32 $0xFFFFCE00  }
0x15: {  	[tilespmem:s3], [sflag:$0x9] =	stream.linear.gather [hbm4b:s30+s3], $0xC8, $0x38;
	[tilespmem:$0xFD20] =	vst v63  }
0x16: {  	_ =	swait.ge [sflag:s17], $0xC8  }
0x17: {  	[sflag:s17] =	ssyncset.done $0x0  }
0x18: {  	[sflag:s17] =	ssyncadd.s32 $0xFFFFFF38  }
0x19: {  	[tilespmem:s19], [sflag:$0x1] =	stream.indirect.gather [hbm4b:s6+s18], $0x40, s3, s18, $0xb8;
	[tilespmem:$0xFD20] =	vst v63  }
0x1a: {  	s31 =	rddreg [dreg:$0x5]  }
0x1b: {  	[tilespmem:s18], [sflag:$0x9] =	stream.linear.gather [hbm4b:s31+s3], $0xC8, $0x38;
	[tilespmem:$0xFD20] =	vst v63  }
0x1c: {  	_ =	swait.ge [sflag:s17], $0xC8  }
0x1d: {  	[sflag:s17] =	ssyncset.done $0x0  }
0x1e: {  	s8 =	simm.s32 $0x0;
	[sflag:s17] =	ssyncadd.s32 $0xFFFFFF38  }
0x1f: {  	[tilespmem:s20], [sflag:$0x2] =	stream.indirect.gather [hbm4b:s6+s18], $0x40, s18, s18, $0xb8;
	[tilespmem:$0xFD20] =	vst v63  }
.LBB2_2:
0x20: {  	s9 =	smul.u32 $0x320, s8;
	_ =	sdelay $0x1  }
0x21: {  	s7 =	sadd.s32 s9, s10  }
0x22: {  	s1 =	sshrl.u32 s7, $0x3  }
0x23: {  	s1 =	sadd.s32 s5, s1  }
0x24: {  	[tilespmem:s21], [sflag:$0x9] =	stream.linear.gather [hbm4b:s1+s3], $0xC8, $0x38;
	[tilespmem:$0xFD20] =	vst v63  }
0x25: {  	_ =	swait.ge [sflag:s17], $0xC8  }
0x26: {  	p0 =	seq.s32 s8, $0x0;
	[sflag:s17] =	ssyncset.done $0x0  }
0x27: {  	s1 =	simm.s32 @!p0 $0x7;
	[sflag:s17] =	ssyncadd.s32 $0xFFFFFF38  }
0x28: {  	_ =	swait.ge @!p0 [sflag:s1], $0x3200  }
0x29: {  	[sflag:s1] =	ssyncset.done @!p0 $0x0  }
0x2a: {  	[sflag:s1] =	ssyncadd.s32 @!p0 $0xFFFFCE00  }
0x2b: {  	[tilespmem:s22], [sflag:$0x3] =	stream.indirect.gather [hbm4b:s6+s18], $0x40, s21, s18, $0xb8;
	[tilespmem:$0xFD20] =	vst v63  }
0x2c: {  	_ =	swait.ge [sflag:s23], $0x3200  }
0x2d: {  	[sflag:s23] =	ssyncset.done $0x0  }
0x2e: {  	s15 =	simm.s32 $0x0;
	[sflag:s23] =	ssyncadd.s32 $0xFFFFCE00  }
0x2f: {  	v0 =	vld [tilespmem:s15+$0xCC10]  }
0x30: {  	v1 =	vld [tilespmem:s15+$0xCB20]  }
0x31: {  	v2 =	vld [tilespmem:s15+$0xCB30]  }
0x32: {  	v3 =	vld [tilespmem:s15+$0xCB40]  }
0x33: {  	v4 =	vld [tilespmem:s15+$0xCB50]  }
0x34: {  	v5 =	vld [tilespmem:s15+$0xCB60]  }
0x35: {  	v6 =	vld [tilespmem:s15+$0xCB70]  }
0x36: {  	v7 =	vld [tilespmem:s15+$0xCB80]  }
0x37: {  	v8 =	vld [tilespmem:s15+$0xCB90]  }
0x38: {  	v9 =	vld [tilespmem:s15+$0xCBA0]  }
0x39: {  	v10 =	vld [tilespmem:s15+$0xCBB0]  }
0x3a: {  	v11 =	vld [tilespmem:s15+$0xCBC0]  }
0x3b: {  	v12 =	vld [tilespmem:s15+$0xCBD0]  }
0x3c: {  	v13 =	vld [tilespmem:s15+$0xCBE0]  }
0x3d: {  	v14 =	vld [tilespmem:s15+$0xCBF0]  }
0x3e: {  	[tilespmem:s15+$0x410] =	vst.add.f32.msk $0xffff, v0  }
0x3f: {  	v0 =	vld [tilespmem:s15+$0xCC00]  }
0x40: {  	[tilespmem:s15+$0x320] =	vst.add.f32.msk $0xffff, v1  }
0x41: {  	[tilespmem:s15+$0x330] =	vst.add.f32.msk $0xffff, v2  }
0x42: {  	[tilespmem:s15+$0x340] =	vst.add.f32.msk $0xffff, v3  }
0x43: {  	[tilespmem:s15+$0x350] =	vst.add.f32.msk $0xffff, v4  }
0x44: {  	[tilespmem:s15+$0x360] =	vst.add.f32.msk $0xffff, v5  }
0x45: {  	[tilespmem:s15+$0x370] =	vst.add.f32.msk $0xffff, v6  }
0x46: {  	[tilespmem:s15+$0x380] =	vst.add.f32.msk $0xffff, v7  }
0x47: {  	[tilespmem:s15+$0x390] =	vst.add.f32.msk $0xffff, v8  }
0x48: {  	[tilespmem:s15+$0x3A0] =	vst.add.f32.msk $0xffff, v9  }
0x49: {  	[tilespmem:s15+$0x3B0] =	vst.add.f32.msk $0xffff, v10  }
0x4a: {  	[tilespmem:s15+$0x3C0] =	vst.add.f32.msk $0xffff, v11  }
0x4b: {  	[tilespmem:s15+$0x3D0] =	vst.add.f32.msk $0xffff, v12  }
0x4c: {  	[tilespmem:s15+$0x3E0] =	vst.add.f32.msk $0xffff, v13  }
0x4d: {  	s30 =	simm.s32 $0x0;
	s31 =	simm.s32 $0x400;
	[tilespmem:s15+$0x3F0] =	vst.add.f32.msk $0xffff, v14  }
.LBB2_3:
0x4e: {  	s30 =	sadd.s32 $0x4, s30;
	[tilespmem:s15+$0x400] =	vst.add.f32.msk $0xffff, v0;
	s15 =	sshra.s32 s31, $0x2  }
0x4f: {  	v0 =	vld [tilespmem:s15+$0xCC10];
	p1 =	slt.u32 s30, $0xC4  }
0x50: {  	v1 =	vld [tilespmem:s15+$0xCB20]  }
0x51: {  	v2 =	vld [tilespmem:s15+$0xCB30]  }
0x52: {  	v3 =	vld [tilespmem:s15+$0xCB40]  }
0x53: {  	v4 =	vld [tilespmem:s15+$0xCB50]  }
0x54: {  	[tilespmem:s15+$0x410] =	vst.add.f32.msk $0xffff, v0  }
0x55: {  	v5 =	vld [tilespmem:s15+$0xCB60]  }
0x56: {  	v6 =	vld [tilespmem:s15+$0xCB70]  }
0x57: {  	v7 =	vld [tilespmem:s15+$0xCB80]  }
0x58: {  	v8 =	vld [tilespmem:s15+$0xCB90]  }
0x59: {  	v9 =	vld [tilespmem:s15+$0xCBA0]  }
0x5a: {  	v10 =	vld [tilespmem:s15+$0xCBB0]  }
0x5b: {  	v11 =	vld [tilespmem:s15+$0xCBC0]  }
0x5c: {  	v12 =	vld [tilespmem:s15+$0xCBD0]  }
0x5d: {  	v13 =	vld [tilespmem:s15+$0xCBE0]  }
0x5e: {  	v14 =	vld [tilespmem:s15+$0xCBF0]  }
0x5f: {  	v0 =	vld [tilespmem:s15+$0xCC00]  }
0x60: {  	[tilespmem:s15+$0x320] =	vst.add.f32.msk $0xffff, v1  }
0x61: {  	[tilespmem:s15+$0x330] =	vst.add.f32.msk $0xffff, v2  }
0x62: {  	[tilespmem:s15+$0x340] =	vst.add.f32.msk $0xffff, v3  }
0x63: {  	[tilespmem:s15+$0x350] =	vst.add.f32.msk $0xffff, v4  }
0x64: {  	[tilespmem:s15+$0x360] =	vst.add.f32.msk $0xffff, v5  }
0x65: {  	[tilespmem:s15+$0x370] =	vst.add.f32.msk $0xffff, v6  }
0x66: {  	[tilespmem:s15+$0x380] =	vst.add.f32.msk $0xffff, v7  }
0x67: {  	[tilespmem:s15+$0x390] =	vst.add.f32.msk $0xffff, v8  }
0x68: {  	[tilespmem:s15+$0x3A0] =	vst.add.f32.msk $0xffff, v9  }
.Ltmp0:
0x69: {  	[tilespmem:s15+$0x3B0] =	vst.add.f32.msk $0xffff, v10;
	(pc) =	sbr.rel @p1 .LBB2_3-.Ltmp0, $4  }
0x6a: {  	[tilespmem:s15+$0x3C0] =	vst.add.f32.msk $0xffff, v11  }
0x6b: {  	[tilespmem:s15+$0x3D0] =	vst.add.f32.msk $0xffff, v12  }
0x6c: {  	[tilespmem:s15+$0x3E0] =	vst.add.f32.msk $0xffff, v13  }
0x6d: {  	s31 =	sadd.s32 $0x400, s31;
	[tilespmem:s15+$0x3F0] =	vst.add.f32.msk $0xffff, v14  }
0x6e: {  	s1 =	sadd.s32 s4, s9  }
0x6f: {  	s1 =	sshll.u32 s1, $0x3  }
0x70: {  	[tilespmem:s15+$0x400] =	vst.add.f32.msk $0xffff, v0;
	s15 =	sadd.s32 s9, s11;
	s1 =	sadd.s32 s2, s1  }
0x71: {  	[hbm4b:s1+s3] =	stream.linear.scatter [tilespmem:s19], [sflag:$0x5], $0x3200, $0x38;
	[tilespmem:$0xFD20] =	vst v63  }
0x72: {  	s1 =	sshrl.u32 s15, $0x3  }
0x73: {  	s1 =	sadd.s32 s5, s1  }
0x74: {  	[tilespmem:s24], [sflag:$0x9] =	stream.linear.gather [hbm4b:s1+s3], $0xC8, $0x38;
	[tilespmem:$0xFD20] =	vst v63  }
0x75: {  	_ =	swait.ge [sflag:s17], $0xC8  }
0x76: {  	[sflag:s17] =	ssyncset.done $0x0  }
0x77: {  	s1 =	simm.s32 @!p0 $0x8;
	[sflag:s17] =	ssyncadd.s32 $0xFFFFFF38  }
0x78: {  	_ =	swait.ge @!p0 [sflag:s1], $0x3200  }
0x79: {  	[sflag:s1] =	ssyncset.done @!p0 $0x0  }
0x7a: {  	[sflag:s1] =	ssyncadd.s32 @!p0 $0xFFFFCE00  }
0x7b: {  	[tilespmem:s25], [sflag:$0x4] =	stream.indirect.gather [hbm4b:s6+s18], $0x40, s24, s18, $0xb8;
	[tilespmem:$0xFD20] =	vst v63  }
0x7c: {  	_ =	swait.ge [sflag:s26], $0x3200  }
0x7d: {  	[sflag:s26] =	ssyncset.done $0x0  }
0x7e: {  	s30 =	simm.s32 $0x0;
	[sflag:s26] =	ssyncadd.s32 $0xFFFFCE00  }
0x7f: {  	v0 =	vld [tilespmem:s30+$0xCC10]  }
0x80: {  	v1 =	vld [tilespmem:s30+$0xCB20]  }
0x81: {  	v2 =	vld [tilespmem:s30+$0xCB30]  }
0x82: {  	v3 =	vld [tilespmem:s30+$0xCB40]  }
0x83: {  	v4 =	vld [tilespmem:s30+$0xCB50]  }
0x84: {  	v5 =	vld [tilespmem:s30+$0xCB60]  }
0x85: {  	v6 =	vld [tilespmem:s30+$0xCB70]  }
0x86: {  	v7 =	vld [tilespmem:s30+$0xCB80]  }
0x87: {  	v8 =	vld [tilespmem:s30+$0xCB90]  }
0x88: {  	v9 =	vld [tilespmem:s30+$0xCBA0]  }
0x89: {  	v10 =	vld [tilespmem:s30+$0xCBB0]  }
0x8a: {  	v11 =	vld [tilespmem:s30+$0xCBC0]  }
0x8b: {  	v12 =	vld [tilespmem:s30+$0xCBD0]  }
0x8c: {  	v13 =	vld [tilespmem:s30+$0xCBE0]  }
0x8d: {  	v14 =	vld [tilespmem:s30+$0xCBF0]  }
0x8e: {  	[tilespmem:s30+$0x3610] =	vst.add.f32.msk $0xffff, v0  }
0x8f: {  	v0 =	vld [tilespmem:s30+$0xCC00]  }
0x90: {  	[tilespmem:s30+$0x3520] =	vst.add.f32.msk $0xffff, v1  }
0x91: {  	[tilespmem:s30+$0x3530] =	vst.add.f32.msk $0xffff, v2  }
0x92: {  	[tilespmem:s30+$0x3540] =	vst.add.f32.msk $0xffff, v3  }
0x93: {  	[tilespmem:s30+$0x3550] =	vst.add.f32.msk $0xffff, v4  }
0x94: {  	[tilespmem:s30+$0x3560] =	vst.add.f32.msk $0xffff, v5  }
0x95: {  	[tilespmem:s30+$0x3570] =	vst.add.f32.msk $0xffff, v6  }
0x96: {  	[tilespmem:s30+$0x3580] =	vst.add.f32.msk $0xffff, v7  }
0x97: {  	[tilespmem:s30+$0x3590] =	vst.add.f32.msk $0xffff, v8  }
0x98: {  	[tilespmem:s30+$0x35A0] =	vst.add.f32.msk $0xffff, v9  }
0x99: {  	[tilespmem:s30+$0x35B0] =	vst.add.f32.msk $0xffff, v10  }
0x9a: {  	[tilespmem:s30+$0x35C0] =	vst.add.f32.msk $0xffff, v11  }
0x9b: {  	[tilespmem:s30+$0x35D0] =	vst.add.f32.msk $0xffff, v12  }
0x9c: {  	[tilespmem:s30+$0x35E0] =	vst.add.f32.msk $0xffff, v13  }
0x9d: {  	s31 =	simm.s32 $0x0;
	s1 =	simm.s32 $0x400;
	[tilespmem:s30+$0x35F0] =	vst.add.f32.msk $0xffff, v14  }
.LBB2_5:
0x9e: {  	s31 =	sadd.s32 $0x4, s31;
	[tilespmem:s30+$0x3600] =	vst.add.f32.msk $0xffff, v0;
	s30 =	sshra.s32 s1, $0x2  }
0x9f: {  	v0 =	vld [tilespmem:s30+$0xCC10];
	p0 =	slt.u32 s31, $0xC4  }
0xa0: {  	v1 =	vld [tilespmem:s30+$0xCB20]  }
0xa1: {  	v2 =	vld [tilespmem:s30+$0xCB30]  }
0xa2: {  	v3 =	vld [tilespmem:s30+$0xCB40]  }
0xa3: {  	v4 =	vld [tilespmem:s30+$0xCB50]  }
0xa4: {  	[tilespmem:s30+$0x3610] =	vst.add.f32.msk $0xffff, v0  }
0xa5: {  	v5 =	vld [tilespmem:s30+$0xCB60]  }
0xa6: {  	v6 =	vld [tilespmem:s30+$0xCB70]  }
0xa7: {  	v7 =	vld [tilespmem:s30+$0xCB80]  }
0xa8: {  	v8 =	vld [tilespmem:s30+$0xCB90]  }
0xa9: {  	v9 =	vld [tilespmem:s30+$0xCBA0]  }
0xaa: {  	v10 =	vld [tilespmem:s30+$0xCBB0]  }
0xab: {  	v11 =	vld [tilespmem:s30+$0xCBC0]  }
0xac: {  	v12 =	vld [tilespmem:s30+$0xCBD0]  }
0xad: {  	v13 =	vld [tilespmem:s30+$0xCBE0]  }
0xae: {  	v14 =	vld [tilespmem:s30+$0xCBF0]  }
0xaf: {  	v0 =	vld [tilespmem:s30+$0xCC00]  }
0xb0: {  	[tilespmem:s30+$0x3520] =	vst.add.f32.msk $0xffff, v1  }
0xb1: {  	[tilespmem:s30+$0x3530] =	vst.add.f32.msk $0xffff, v2  }
0xb2: {  	[tilespmem:s30+$0x3540] =	vst.add.f32.msk $0xffff, v3  }
0xb3: {  	[tilespmem:s30+$0x3550] =	vst.add.f32.msk $0xffff, v4  }
0xb4: {  	[tilespmem:s30+$0x3560] =	vst.add.f32.msk $0xffff, v5  }
0xb5: {  	[tilespmem:s30+$0x3570] =	vst.add.f32.msk $0xffff, v6  }
0xb6: {  	[tilespmem:s30+$0x3580] =	vst.add.f32.msk $0xffff, v7  }
0xb7: {  	[tilespmem:s30+$0x3590] =	vst.add.f32.msk $0xffff, v8  }
0xb8: {  	[tilespmem:s30+$0x35A0] =	vst.add.f32.msk $0xffff, v9  }
.Ltmp1:
0xb9: {  	[tilespmem:s30+$0x35B0] =	vst.add.f32.msk $0xffff, v10;
	(pc) =	sbr.rel @p0 .LBB2_5-.Ltmp1, $4  }
0xba: {  	[tilespmem:s30+$0x35C0] =	vst.add.f32.msk $0xffff, v11  }
0xbb: {  	[tilespmem:s30+$0x35D0] =	vst.add.f32.msk $0xffff, v12  }
0xbc: {  	[tilespmem:s30+$0x35E0] =	vst.add.f32.msk $0xffff, v13  }
0xbd: {  	s1 =	sadd.s32 $0x400, s1;
	[tilespmem:s30+$0x35F0] =	vst.add.f32.msk $0xffff, v14  }
0xbe: {  	s1 =	sadd.s32 s9, s12  }
0xbf: {  	s1 =	sshll.u32 s1, $0x3  }
0xc0: {  	s1 =	sand.u32 $0x1FFFFF40, s1  }
0xc1: {  	[tilespmem:s30+$0x3600] =	vst.add.f32.msk $0xffff, v0;
	p0 =	seq.s32 s8, $0x1F;
	s1 =	sadd.s32 s2, s1  }
0xc2: {  	[hbm4b:s1+s3] =	stream.linear.scatter [tilespmem:s20], [sflag:$0x6], $0x3200, $0x38;
	[tilespmem:$0xFD20] =	vst v63  }
0xc3: {  	s1 =	sadd.s32 @!p0 s9, s13  }
0xc4: {  	s1 =	sshrl.u32 @!p0 s1, $0x3  }
0xc5: {  	s30 =	simm.s32 @!p0 $0x0;
	s1 =	sadd.s32 @!p0 s5, s1  }
0xc6: {  	[tilespmem:s30], [sflag:$0x9] =	stream.linear.gather @!p0 [hbm4b:s1+s30], $0xC8, $0x38;
	[tilespmem:$0xFD20] =	vst v63  }
0xc7: {  	s1 =	simm.s32 @!p0 $0x9  }
0xc8: {  	_ =	swait.ge @!p0 [sflag:s1], $0xC8  }
0xc9: {  	[sflag:s1] =	ssyncset.done @!p0 $0x0  }
0xca: {  	[sflag:s1] =	ssyncadd.s32 @!p0 $0xFFFFFF38;
	s1 =	simm.s32 @!p0 $0x5  }
0xcb: {  	_ =	swait.ge @!p0 [sflag:s1], $0x3200  }
0xcc: {  	[sflag:s1] =	ssyncset.done @!p0 $0x0  }
0xcd: {  	s31 =	simm.s32 @!p0 $0x320;
	[sflag:s1] =	ssyncadd.s32 @!p0 $0xFFFFCE00;
	s1 =	simm.s32 @!p0 $0xC8  }
0xce: {  	[tilespmem:s31], [sflag:$0x1] =	stream.indirect.gather @!p0 [hbm4b:s6+s1], $0x40, s30, s1, $0xb8;
	[tilespmem:$0xFD20] =	vst v63  }
0xcf: {  	_ =	swait.ge [sflag:s28], $0x3200  }
0xd0: {  	[sflag:s28] =	ssyncset.done $0x0  }
0xd1: {  	s30 =	simm.s32 $0x0;
	[sflag:s28] =	ssyncadd.s32 $0xFFFFCE00  }
0xd2: {  	v0 =	vld [tilespmem:s30+$0xCC10]  }
0xd3: {  	v1 =	vld [tilespmem:s30+$0xCB20]  }
0xd4: {  	v2 =	vld [tilespmem:s30+$0xCB30]  }
0xd5: {  	v3 =	vld [tilespmem:s30+$0xCB40]  }
0xd6: {  	v4 =	vld [tilespmem:s30+$0xCB50]  }
0xd7: {  	v5 =	vld [tilespmem:s30+$0xCB60]  }
0xd8: {  	v6 =	vld [tilespmem:s30+$0xCB70]  }
0xd9: {  	v7 =	vld [tilespmem:s30+$0xCB80]  }
0xda: {  	v8 =	vld [tilespmem:s30+$0xCB90]  }
0xdb: {  	v9 =	vld [tilespmem:s30+$0xCBA0]  }
0xdc: {  	v10 =	vld [tilespmem:s30+$0xCBB0]  }
0xdd: {  	v11 =	vld [tilespmem:s30+$0xCBC0]  }
0xde: {  	v12 =	vld [tilespmem:s30+$0xCBD0]  }
0xdf: {  	v13 =	vld [tilespmem:s30+$0xCBE0]  }
0xe0: {  	v14 =	vld [tilespmem:s30+$0xCBF0]  }
0xe1: {  	[tilespmem:s30+$0x6810] =	vst.add.f32.msk $0xffff, v0  }
0xe2: {  	v0 =	vld [tilespmem:s30+$0xCC00]  }
0xe3: {  	[tilespmem:s30+$0x6720] =	vst.add.f32.msk $0xffff, v1  }
0xe4: {  	[tilespmem:s30+$0x6730] =	vst.add.f32.msk $0xffff, v2  }
0xe5: {  	[tilespmem:s30+$0x6740] =	vst.add.f32.msk $0xffff, v3  }
0xe6: {  	[tilespmem:s30+$0x6750] =	vst.add.f32.msk $0xffff, v4  }
0xe7: {  	[tilespmem:s30+$0x6760] =	vst.add.f32.msk $0xffff, v5  }
0xe8: {  	[tilespmem:s30+$0x6770] =	vst.add.f32.msk $0xffff, v6  }
0xe9: {  	[tilespmem:s30+$0x6780] =	vst.add.f32.msk $0xffff, v7  }
0xea: {  	[tilespmem:s30+$0x6790] =	vst.add.f32.msk $0xffff, v8  }
0xeb: {  	[tilespmem:s30+$0x67A0] =	vst.add.f32.msk $0xffff, v9  }
0xec: {  	[tilespmem:s30+$0x67B0] =	vst.add.f32.msk $0xffff, v10  }
0xed: {  	[tilespmem:s30+$0x67C0] =	vst.add.f32.msk $0xffff, v11  }
0xee: {  	[tilespmem:s30+$0x67D0] =	vst.add.f32.msk $0xffff, v12  }
0xef: {  	[tilespmem:s30+$0x67E0] =	vst.add.f32.msk $0xffff, v13  }
0xf0: {  	s31 =	simm.s32 $0x0;
	s1 =	simm.s32 $0x400;
	[tilespmem:s30+$0x67F0] =	vst.add.f32.msk $0xffff, v14  }
.LBB2_7:
0xf1: {  	s31 =	sadd.s32 $0x4, s31;
	[tilespmem:s30+$0x6800] =	vst.add.f32.msk $0xffff, v0;
	s30 =	sshra.s32 s1, $0x2  }
0xf2: {  	v0 =	vld [tilespmem:s30+$0xCC10];
	p1 =	slt.u32 s31, $0xC4  }
0xf3: {  	v1 =	vld [tilespmem:s30+$0xCB20]  }
0xf4: {  	v2 =	vld [tilespmem:s30+$0xCB30]  }
0xf5: {  	v3 =	vld [tilespmem:s30+$0xCB40]  }
0xf6: {  	v4 =	vld [tilespmem:s30+$0xCB50]  }
0xf7: {  	[tilespmem:s30+$0x6810] =	vst.add.f32.msk $0xffff, v0  }
0xf8: {  	v5 =	vld [tilespmem:s30+$0xCB60]  }
0xf9: {  	v6 =	vld [tilespmem:s30+$0xCB70]  }
0xfa: {  	v7 =	vld [tilespmem:s30+$0xCB80]  }
0xfb: {  	v8 =	vld [tilespmem:s30+$0xCB90]  }
0xfc: {  	v9 =	vld [tilespmem:s30+$0xCBA0]  }
0xfd: {  	v10 =	vld [tilespmem:s30+$0xCBB0]  }
0xfe: {  	v11 =	vld [tilespmem:s30+$0xCBC0]  }
0xff: {  	v12 =	vld [tilespmem:s30+$0xCBD0]  }
0x100: {  	v13 =	vld [tilespmem:s30+$0xCBE0]  }
0x101: {  	v14 =	vld [tilespmem:s30+$0xCBF0]  }
0x102: {  	v0 =	vld [tilespmem:s30+$0xCC00]  }
0x103: {  	[tilespmem:s30+$0x6720] =	vst.add.f32.msk $0xffff, v1  }
0x104: {  	[tilespmem:s30+$0x6730] =	vst.add.f32.msk $0xffff, v2  }
0x105: {  	[tilespmem:s30+$0x6740] =	vst.add.f32.msk $0xffff, v3  }
0x106: {  	[tilespmem:s30+$0x6750] =	vst.add.f32.msk $0xffff, v4  }
0x107: {  	[tilespmem:s30+$0x6760] =	vst.add.f32.msk $0xffff, v5  }
0x108: {  	[tilespmem:s30+$0x6770] =	vst.add.f32.msk $0xffff, v6  }
0x109: {  	[tilespmem:s30+$0x6780] =	vst.add.f32.msk $0xffff, v7  }
0x10a: {  	[tilespmem:s30+$0x6790] =	vst.add.f32.msk $0xffff, v8  }
0x10b: {  	[tilespmem:s30+$0x67A0] =	vst.add.f32.msk $0xffff, v9  }
.Ltmp2:
0x10c: {  	[tilespmem:s30+$0x67B0] =	vst.add.f32.msk $0xffff, v10;
	(pc) =	sbr.rel @p1 .LBB2_7-.Ltmp2, $4  }
0x10d: {  	[tilespmem:s30+$0x67C0] =	vst.add.f32.msk $0xffff, v11  }
0x10e: {  	[tilespmem:s30+$0x67D0] =	vst.add.f32.msk $0xffff, v12  }
0x10f: {  	[tilespmem:s30+$0x67E0] =	vst.add.f32.msk $0xffff, v13  }
0x110: {  	s1 =	sadd.s32 $0x400, s1;
	[tilespmem:s30+$0x67F0] =	vst.add.f32.msk $0xffff, v14  }
0x111: {  	s1 =	sshll.u32 s7, $0x3  }
0x112: {  	s1 =	sand.u32 $0x1FFFFF80, s1  }
0x113: {  	[tilespmem:s30+$0x6800] =	vst.add.f32.msk $0xffff, v0;
	s1 =	sadd.s32 s2, s1  }
0x114: {  	[hbm4b:s1+s3] =	stream.linear.scatter [tilespmem:s22], [sflag:$0x7], $0x3200, $0x38;
	[tilespmem:$0xFD20] =	vst v63  }
0x115: {  	s1 =	sadd.s32 @!p0 s9, s14  }
0x116: {  	s1 =	sshrl.u32 @!p0 s1, $0x3  }
0x117: {  	s7 =	simm.s32 @!p0 $0x0;
	s9 =	simm.s32 @!p0 $0xC8;
	s1 =	sadd.s32 @!p0 s5, s1  }
0x118: {  	[tilespmem:s9], [sflag:$0x9] =	stream.linear.gather @!p0 [hbm4b:s1+s7], $0xC8, $0x38;
	[tilespmem:$0xFD20] =	vst v63  }
0x119: {  	s1 =	simm.s32 @!p0 $0x9  }
0x11a: {  	_ =	swait.ge @!p0 [sflag:s1], $0xC8  }
0x11b: {  	[sflag:s1] =	ssyncset.done @!p0 $0x0  }
0x11c: {  	[sflag:s1] =	ssyncadd.s32 @!p0 $0xFFFFFF38;
	s1 =	simm.s32 @!p0 $0x6  }
0x11d: {  	_ =	swait.ge @!p0 [sflag:s1], $0x3200  }
0x11e: {  	[sflag:s1] =	ssyncset.done @!p0 $0x0  }
0x11f: {  	[sflag:s1] =	ssyncadd.s32 @!p0 $0xFFFFCE00;
	s1 =	simm.s32 @!p0 $0x3520  }
0x120: {  	[tilespmem:s1], [sflag:$0x2] =	stream.indirect.gather @!p0 [hbm4b:s6+s9], $0x40, s9, s9, $0xb8;
	[tilespmem:$0xFD20] =	vst v63  }
0x121: {  	_ =	swait.ge [sflag:s29], $0x3200  }
0x122: {  	[sflag:s29] =	ssyncset.done $0x0  }
0x123: {  	s7 =	simm.s32 $0x0;
	[sflag:s29] =	ssyncadd.s32 $0xFFFFCE00  }
0x124: {  	v0 =	vld [tilespmem:s7+$0xCC10]  }
0x125: {  	v1 =	vld [tilespmem:s7+$0xCB20]  }
0x126: {  	v2 =	vld [tilespmem:s7+$0xCB30]  }
0x127: {  	v3 =	vld [tilespmem:s7+$0xCB40]  }
0x128: {  	v4 =	vld [tilespmem:s7+$0xCB50]  }
0x129: {  	v5 =	vld [tilespmem:s7+$0xCB60]  }
0x12a: {  	v6 =	vld [tilespmem:s7+$0xCB70]  }
0x12b: {  	v7 =	vld [tilespmem:s7+$0xCB80]  }
0x12c: {  	v8 =	vld [tilespmem:s7+$0xCB90]  }
0x12d: {  	v9 =	vld [tilespmem:s7+$0xCBA0]  }
0x12e: {  	v10 =	vld [tilespmem:s7+$0xCBB0]  }
0x12f: {  	v11 =	vld [tilespmem:s7+$0xCBC0]  }
0x130: {  	v12 =	vld [tilespmem:s7+$0xCBD0]  }
0x131: {  	v13 =	vld [tilespmem:s7+$0xCBE0]  }
0x132: {  	v14 =	vld [tilespmem:s7+$0xCBF0]  }
0x133: {  	[tilespmem:s7+$0x9A10] =	vst.add.f32.msk $0xffff, v0  }
0x134: {  	v0 =	vld [tilespmem:s7+$0xCC00]  }
0x135: {  	[tilespmem:s7+$0x9920] =	vst.add.f32.msk $0xffff, v1  }
0x136: {  	[tilespmem:s7+$0x9930] =	vst.add.f32.msk $0xffff, v2  }
0x137: {  	[tilespmem:s7+$0x9940] =	vst.add.f32.msk $0xffff, v3  }
0x138: {  	[tilespmem:s7+$0x9950] =	vst.add.f32.msk $0xffff, v4  }
0x139: {  	[tilespmem:s7+$0x9960] =	vst.add.f32.msk $0xffff, v5  }
0x13a: {  	[tilespmem:s7+$0x9970] =	vst.add.f32.msk $0xffff, v6  }
0x13b: {  	[tilespmem:s7+$0x9980] =	vst.add.f32.msk $0xffff, v7  }
0x13c: {  	[tilespmem:s7+$0x9990] =	vst.add.f32.msk $0xffff, v8  }
0x13d: {  	[tilespmem:s7+$0x99A0] =	vst.add.f32.msk $0xffff, v9  }
0x13e: {  	[tilespmem:s7+$0x99B0] =	vst.add.f32.msk $0xffff, v10  }
0x13f: {  	[tilespmem:s7+$0x99C0] =	vst.add.f32.msk $0xffff, v11  }
0x140: {  	[tilespmem:s7+$0x99D0] =	vst.add.f32.msk $0xffff, v12  }
0x141: {  	[tilespmem:s7+$0x99E0] =	vst.add.f32.msk $0xffff, v13  }
0x142: {  	s9 =	simm.s32 $0x0;
	s1 =	simm.s32 $0x400;
	[tilespmem:s7+$0x99F0] =	vst.add.f32.msk $0xffff, v14  }
.LBB2_9:
0x143: {  	s9 =	sadd.s32 $0x4, s9;
	[tilespmem:s7+$0x9A00] =	vst.add.f32.msk $0xffff, v0;
	s7 =	sshra.s32 s1, $0x2  }
0x144: {  	v0 =	vld [tilespmem:s7+$0xCC10];
	p0 =	slt.u32 s9, $0xC4  }
0x145: {  	v1 =	vld [tilespmem:s7+$0xCB20]  }
0x146: {  	v2 =	vld [tilespmem:s7+$0xCB30]  }
0x147: {  	v3 =	vld [tilespmem:s7+$0xCB40]  }
0x148: {  	v4 =	vld [tilespmem:s7+$0xCB50]  }
0x149: {  	[tilespmem:s7+$0x9A10] =	vst.add.f32.msk $0xffff, v0  }
0x14a: {  	v5 =	vld [tilespmem:s7+$0xCB60]  }
0x14b: {  	v6 =	vld [tilespmem:s7+$0xCB70]  }
0x14c: {  	v7 =	vld [tilespmem:s7+$0xCB80]  }
0x14d: {  	v8 =	vld [tilespmem:s7+$0xCB90]  }
0x14e: {  	v9 =	vld [tilespmem:s7+$0xCBA0]  }
0x14f: {  	v10 =	vld [tilespmem:s7+$0xCBB0]  }
0x150: {  	v11 =	vld [tilespmem:s7+$0xCBC0]  }
0x151: {  	v12 =	vld [tilespmem:s7+$0xCBD0]  }
0x152: {  	v13 =	vld [tilespmem:s7+$0xCBE0]  }
0x153: {  	v14 =	vld [tilespmem:s7+$0xCBF0]  }
0x154: {  	v0 =	vld [tilespmem:s7+$0xCC00]  }
0x155: {  	[tilespmem:s7+$0x9920] =	vst.add.f32.msk $0xffff, v1  }
0x156: {  	[tilespmem:s7+$0x9930] =	vst.add.f32.msk $0xffff, v2  }
0x157: {  	[tilespmem:s7+$0x9940] =	vst.add.f32.msk $0xffff, v3  }
0x158: {  	[tilespmem:s7+$0x9950] =	vst.add.f32.msk $0xffff, v4  }
0x159: {  	[tilespmem:s7+$0x9960] =	vst.add.f32.msk $0xffff, v5  }
0x15a: {  	[tilespmem:s7+$0x9970] =	vst.add.f32.msk $0xffff, v6  }
0x15b: {  	[tilespmem:s7+$0x9980] =	vst.add.f32.msk $0xffff, v7  }
0x15c: {  	[tilespmem:s7+$0x9990] =	vst.add.f32.msk $0xffff, v8  }
0x15d: {  	[tilespmem:s7+$0x99A0] =	vst.add.f32.msk $0xffff, v9  }
.Ltmp3:
0x15e: {  	[tilespmem:s7+$0x99B0] =	vst.add.f32.msk $0xffff, v10;
	(pc) =	sbr.rel @p0 .LBB2_9-.Ltmp3, $4  }
0x15f: {  	[tilespmem:s7+$0x99C0] =	vst.add.f32.msk $0xffff, v11  }
0x160: {  	[tilespmem:s7+$0x99D0] =	vst.add.f32.msk $0xffff, v12  }
0x161: {  	[tilespmem:s7+$0x99E0] =	vst.add.f32.msk $0xffff, v13  }
0x162: {  	s1 =	sadd.s32 $0x400, s1;
	[tilespmem:s7+$0x99F0] =	vst.add.f32.msk $0xffff, v14  }
0x163: {  	s8 =	sadd.s32 $0x1, s8  }
0x164: {  	p0 =	sne.s32 s8, $0x20  }
.Ltmp4:
0x165: {  	_ = 	snop;
	(pc) =	sbr.rel @p0 .LBB2_2-.Ltmp4, $4  }
0x166: {  	s1 =	sshll.u32 s15, $0x3  }
0x167: {  	s1 =	sand.u32 $0x1FFFFFC0, s1  }
0x168: {  	[tilespmem:s7+$0x9A00] =	vst.add.f32.msk $0xffff, v0;
	s1 =	sadd.s32 s2, s1  }
0x169: {  	[hbm4b:s1+s3] =	stream.linear.scatter [tilespmem:s25], [sflag:$0x8], $0x3200, $0x38;
	[tilespmem:$0xFD20] =	vst v63  }
0x16a: {  	s1 =	simm.s32 $0x5  }
0x16b: {  	_ =	swait.ge [sflag:s1], $0x3200  }
0x16c: {  	[sflag:s1] =	ssyncset.done $0x0  }
0x16d: {  	s15 =	simm.s32 $0x6;
	[sflag:s1] =	ssyncadd.s32 $0xFFFFCE00  }
0x16e: {  	_ =	swait.ge [sflag:s15], $0x3200  }
0x16f: {  	[sflag:s15] =	ssyncset.done $0x0  }
0x170: {  	s30 =	simm.s32 $0x7;
	[sflag:s15] =	ssyncadd.s32 $0xFFFFCE00  }
0x171: {  	_ =	swait.ge [sflag:s30], $0x3200  }
0x172: {  	[sflag:s30] =	ssyncset.done $0x0  }
0x173: {  	[sflag:s30] =	ssyncadd.s32 $0xFFFFCE00  }
0x174: {  	_ =	swait.ge [sflag:s0], $0x3200  }
0x175: {  	s16 =	sadd.s32 $0x1, s16;
	s31 =	rddreg [dreg:$0x6]  }
0x176: {  	p0 =	sne.s32 s16, s31  }
.Ltmp5:
0x177: {  	_ = 	snop;
	(pc) =	sbr.rel @p0 .LBB2_1-.Ltmp5, $3  }
0x178: {  	_ =	sdelay $0x1  }
0x179: {  	[sflag:s0] =	ssyncset.done $0x0  }
0x17a: {  	[sflag:s0] =	ssyncadd.s32 $0xFFFFCE00  }
0x17b: {  	_ =	sfence.sel $0x180000  }
0x17c: {  	[bflag:$0x0] =	sbarrier.arrive $0xFFFF  }
0x17d: {  	_ =	strace $0x90000047  }
0x17e: {  	s0 =	stileid.u32;
	[bflag:$0x2] =	sbarrier.arrive $0xFFFF  }
0x17f: {  	p0 =	sne.s32 s0, $0x0;
	s0 =	rddreg [dreg:$0x2]  }
0x180: {  	s0 =	sadd.s32 @!p0 $0x100000, s0  }
0x181: {  	[sflag:s0] =	ssyncadd.tile.s32 @!p0 $0x1;
	_ =	shalt  }
.Lfunc_end2:
_tile_overlayer_lowered:
.L_overlay_start_2:
0x182: {  	(tag) =	ssettag $0x2  }
0x183: {  	s0 =	rddreg [dreg:$0x0];
	s2 =	stileid.u32  }
0x184: {  	s1 =	rddreg [dreg:$0x1];
	p0 =	sne.s32 s2, $0x0  }
0x185: {  	s3 =	rddreg [dreg:$0x2];
	[bflag:$0x3] =	sbarrier.arrive $0xFFFF;
	s2 =	simm.s32 @!p0 $0x1C09  }
0x186: {  	[timem:s3], [sflag:s2] =	dma.local @!p0 [hbm:s0], s1  }
0x187: {  	s0 =	simm.s32 @!p0 $0x9  }
0x188: {  	_ =	swait.ge @!p0 [sflag:s0], s1  }
0x189: {  	s1 =	ssub.s32 @!p0 $0x0, s1;
	[sflag:s0] =	ssyncset.done @!p0 $0x0  }
0x18a: {  	[sflag:s0] =	ssyncadd.s32 @!p0 s1  }
0x18b: {  	[bflag:$0x3] =	sbarrier.arrive $0xFFFF  }
0x18c: {  	_ =	shalt  }

// kernel: sparse-core-data-format-call.cloned.1.call-start
scs
called_computation_lowered:
.L_overlay_start_0:
0x0: {  	s2 =	sld [smem:$0x3FD9]  }
0x1: {  	s3 =	sld [smem:$0x3FFE];
	_ =	sdelay $0x1  }
0x2: {  	s1 =	srdreg.scid  }
0x3: {  	s0 =	sand.u32 $0x1, s1  }
0x4: {  	s18 =	sshll.u32 s0, $0xA;
	s2 =	sadd.s32 s3, s2  }
0x5: {  	s2 =	sadd.s32 s2, s18  }
0x6: {  	[smem:$0x3FC5] =	sst s2  }
0x7: {  	_ = 	snop  }
0x8: {  	s2 =	sld [smem:$0x3FD0];
	(tm) =	ssettm $0x1  }
0x9: {  	s19 =	sld [smem:$0x3FFB];
	_ =	sdelay $0x3  }
0xa: {  	_ =	strace s19  }
0xb: {  	s3 =	sld [smem:$0x3FFC];
	_ =	sdelay $0x3  }
0xc: {  	_ =	strace s3  }
0xd: {  	s3 =	sld [smem:$0x3FFD];
	_ =	sdelay $0x3  }
0xe: {  	_ =	strace s3  }
0xf: {  	_ =	strace $0x8FFFFFFF  }
0x10: {  	s20 =	sld [smem:$0x3FDB];
	_ =	sdelay $0x1  }
0x11: {  	s4 =	simm.s32 $_scs_section_size  }
0x12: {  	s5 =	simm.s32 $_size__tile_overlayer_lowered;
	s6 =	simm.s32 $_tile_overlayer_lowered  }
0x13: {  	s23 =	simm.s32 $0x1BFF;
	s22 =	sshll.u32 s6, $0x1;
	s3 =	sadd.s32 s4, s20  }
0x14: {  	s7 =	simm.s32 $0x0;
	s21 =	sshll.u32 s5, $0x1;
	s5 =	sadd.s32 s22, s3  }
0x15: {  	[timem:s7], [sflag:s23] =	dma.local [hbm:s5], s21  }
0x16: {  	_ =	swait.ge [sflag:s23], s21  }
0x17: {  	s4 =	ssub.s32 $0x0, s21;
	[sflag:s23] =	ssyncset.done $0x0  }
0x18: {  	[sflag:s23] =	ssyncadd.s32 s4;
	_ =	sdelay $0x1  }
0x19: {  	s24 =	simm.s32 $0x1B8B  }
0x1a: {  	_ =	swait.ge [sflag:s24], $0x1  }
0x1b: {  	[sflag:s24] =	ssyncset.done $0x0  }
0x1c: {  	s26 =	simm.s32 $0x1B8E;
	s25 =	sld [smem:$0x3FFE];
	[sflag:s24] =	ssyncadd.s32 $0xFFFFFFFF  }
0x1d: {  	s27 =	simm.s32 $execute0_lowered;
	[smem:$0x3FD2] =	sst s26  }
0x1e: {  	s5 =	sshll.u32 s27, $0x1;
	_ =	strace $0x80000049;
	[dreg:$0x1] =	wrdreg $0xFFFFFFFF  }
0x1f: {  	s28 =	simm.s32 $_size_execute0_lowered;
	s3 =	sadd.s32 s3, s5;
	[dreg:$0x0] =	wrdreg $0x0  }
0x20: {  	s5 =	sshll.u32 s28, $0x1;
	[dreg:$0x2] =	wrdreg s3  }
0x21: {  	[dreg:$0x3] =	wrdreg s5  }
0x22: {  	[dreg:$0x4] =	wrdreg $0xC0  }
0x23: {  	_ =	task [dreg:s7], $0x5FFFF  }
0x24: {  	[dreg:$0x1] =	wrdreg $0xFFFFFFFF  }
0x25: {  	[dreg:$0x0] =	wrdreg $0x60  }
0x26: {  	[dreg:$0x2] =	wrdreg s25  }
0x27: {  	[dreg:$0x3] =	wrdreg s2  }
0x28: {  	[dreg:$0x4] =	wrdreg $0x9  }
0x29: {  	_ =	task.clear_ibuf [dreg:s7], $0x5FFFF;
	_ =	strace $0x90000049  }
0x2a: {  	s29 =	simm.s32 $0x9;
	_ =	strace $0x8000004B  }
0x2b: {  	_ =	swait.ge [sflag:s29], $0x1  }
0x2c: {  	[sflag:s29] =	ssyncadd.s32 $0xFFFFFFFF  }
0x2d: {  	_ =	strace $0x9000004B  }
0x2e: {  	_ =	sfence  }
0x2f: {  	s30 =	sld [smem:$0x0];
	_ =	sdelay $0x2  }
0x30: {  	s31 =	sshll.u32 s1, $0xD;
	s1 =	sshrl.u32 s1, $0x2  }
0x31: {  	s3 =	sand.u32 $0x4000, s31;
	s1 =	sadd.s32 s1, s30  }
0x32: {  	s0 =	sor.u32 s3, s0;
	s1 =	sshll.u32 s1, $0x11  }
0x33: {  	s0 =	sor.u32 s1, s0  }
0x34: {  	s0 =	sadd.s32 $0x8F2B, s0  }
0x35: {  	[sflag:s0] =	ssyncadd.remote.s32 $0x1  }
0x36: {  	_ =	sfence.sel $0xFFFF  }
0x37: {  	[dreg:$0x0] =	wrdreg $0xFFFFFFFF;
	(pc) =	sbr.abs _section_cstart, $3  }
0x38: {  	[dreg:$0x1] =	wrdreg $0xFFFFFFFF  }
0x39: {  	_ =	task.clear_ibuf [dreg:s7], $0x2FFFF;
	_ =	strace $0x9FFFFFFF  }
0x3a: {  	(tm) =	ssettm $0x7FFFFFFF  }
0x3b: {  	_ =	shalt  }
tec
execute0_lowered:
.L_overlay_start_1:
0x0: {  	(tag) =	ssettag $0x1  }
0x1: {  	s0 =	srdreg.scid  }
0x2: {  	s1 =	sshll.u32 s0, $0x4  }
0x3: {  	s0 =	stileid.u32;
	s1 =	sand.u32 $0x10, s1  }
0x4: {  	s1 =	sor.u32 s0, s1  }
0x5: {  	s6 =	rddreg [dreg:$0x0];
	s4 =	simm.s32 $0x1;
	s2 =	sshll.u32 s1, $0x7  }
0x6: {  	s7 =	simm.s32 $0x2;
	s12 =	simm.s32 $0x0;
	s1 =	ssub.s32 $0x1000, s2  }
0x7: {  	s8 =	simm.s32 $0x8000;
	s13 =	simm.s32 $0x0;
	s3 =	sand.u32 $0xF80, s1  }
0x8: {  	s9 =	simm.s32 $0x0;
	s5 =	sshrl.u32 s1, $0xC;
	p0 =	sne.s32 s3, $0x0  }
.Ltmp0:
0x9: {  	s1 =	rddreg [dreg:$0x2];
	s4 =	simm.s32 @!p0 $0x0;
	(pc) =	sbr.rel .LBB1_1-.Ltmp0, $4  }
0xa: {  	s11 =	simm.s32 $0x0;
	s3 =	rddreg [dreg:$0x1];
	s5 =	sadd.s32 s4, s5  }
0xb: {  	_ =	strace $0x8000004A;
	s4 =	simm.s32 $0x1;
	s5 =	smul.u32 $0xC8, s5  }
0xc: {  	s6 =	sadd.s32 $0xC00, s6;
	s10 =	smov.u32 s2;
	[sflag:s4] =	ssyncpa.u1 $0x0  }
0xd: {  	p0 =	por $0x0, $0x0;
	[sflag:s7] =	ssyncpa.u1 $0x0;
	s7 =	sor.u32 $0x1, s5  }
.LBB1_4:
0xe: {  	s16 =	sshll.u32 s13, $0x3;
	s17 =	sand.u32 $0x78, s13  }
0xf: {  	s30 =	sand.u32 $0x7E00, s13;
	s12 =	sshll.u32 s12, $0xF;
	s16 =	sand.u32 $0xC00, s16  }
0x10: {  	[tilespmem:s15+$0x810 ss:$0x81] =	vst.msk $0xffff, v2;
	s31 =	sand.u32 $0x7, s13;
	s16 =	sor.u32 s17, s16;
	s17 =	sadd.s32 s3, s30  }
0x11: {  	[tilespmem:s15+$0x1020 ss:$0x81] =	vst.msk $0xffff, v0;
	s13 =	sshll.u32 s31, $0x12;
	s12 =	sadd.s32 s12, s17;
	s16 =	sshrl.u32 s16, $0x3  }
0x12: {  	[tilespmem:s15+$0x0 ss:$0x81] =	vst.msk $0xffff, v1;
	s13 =	sor.u32 $0x400, s13;
	s12 =	sadd.s32 s16, s12  }
0x13: {  	[hbm4b:s12+s13] =	stream.strided.scatter [tilespmem:s14], [sflag:$0x2], $0x2000, s8, s13, $0x20;
	[tilespmem:$0x8080] =	vst v63  }
.LBB1_5:
0x14: {  	s14 =	sadd.s32 $0x1, s9  }
0x15: {  	s12 =	sadd.s32 $0x1000, s10;
	s16 =	smov.u32 s10;
	p2 =	sgt.s32 s14, $0xC7  }
0x16: {  	s16 =	smov.u32 @p2 s12  }
0x17: {  	s14 =	simm.s32 @p2 $0x0;
	p2 =	sgt.s32 s16, $0xFFF  }
0x18: {  	s16 =	smov.u32 @p2 s2;
	p2 =	sne.s32 s11, s7  }
.Ltmp1:
0x19: {  	p1 =	slt.u32 s11, $0x2;
	(pc) =	sbr.rel @!p2 .LBB1_6-.Ltmp1, $4  }
0x1a: {  	s15 =	simm.s32 @!p1 $0x2  }
0x1b: {  	s13 =	smov.u32 s10;
	p0 =	por !p0, !p0;
	_ =	swait.ge @!p1 [sflag:s15], $0x2000  }
0x1c: {  	s12 =	smov.u32 s9;
	[sflag:s15] =	ssyncset.done @!p1 $0x0;
	s9 =	smov.u32 s14  }
0x1d: {  	s11 =	sadd.s32 $0x1, s11;
	[sflag:s15] =	ssyncadd.s32 @!p1 $0xFFFFE000;
	s10 =	smov.u32 s16  }
.LBB1_1:
0x1e: {  	p1 =	sge.u32 s11, s5  }
0x1f: {  	s14 =	sand.u32 @!p1 $0x1FFFFFF, s9  }
0x20: {  	s15 =	smulhi.u32 @!p1 $0x147AE15, s14;
	_ =	sdelay $0x1  }
0x21: {  	s15 =	smul.u32 @!p1 $0xC8, s15  }
0x22: {  	s16 =	sxor.u32 @!p1 $0xFFFFFFFF, s11;
	s17 =	smul.u32 @!p1 $0xC80, s10  }
0x23: {  	s31 =	sadd.s32 $0xFFFFFFFF, s11;
	s16 =	sshll.u32 @!p1 s16, $0xD;
	s14 =	ssub.s32 @!p1 s14, s15  }
0x24: {  	s15 =	sand.u32 @!p1 $0x2000, s16;
	s16 =	sadd.s32 @!p1 s6, s17;
	s14 =	sshll.u32 @!p1 s14, $0x4  }
0x25: {  	s17 =	simm.s32 @!p1 $0x6400;
	s14 =	sadd.s32 @!p1 s14, s16;
	s16 =	simm.s32 @!p1 $0x40  }
0x26: {  	[tilespmem:s15], [sflag:$0x1] =	stream.strided.gather @!p1 [hbm4b:s14+s16], $0x2000, s17, s16, $0x38;
	[tilespmem:$0x8080] =	vst v63  }
0x27: {  	p1 =	sge.u32 s31, s5  }
.Ltmp2:
0x28: {  	_ = 	snop;
	(pc) =	sbr.rel @p1 .LBB1_5-.Ltmp2, $1  }
0x29: {  	_ =	sdelay $0x3  }
0x2a: {  	s14 =	simm.s32 $0x1  }
0x2b: {  	_ =	swait.ge [sflag:s4], $0x2000;
	s14 =	simm.s32 @!p0 $0x0  }
0x2c: {  	[sflag:s4] =	ssyncset.done $0x0;
	s15 =	sshll.u32 s14, $0xD  }
0x2d: {  	[sflag:s4] =	ssyncadd.s32 $0xFFFFE000;
	s18 =	sor.u32 $0x20, s15  }
0x2e: {  	s14 =	smul.u32 $0x8100, s14;
	v3 =	vld [tilespmem:s18+$0x10]  }
0x2f: {  	s30 =	sand.u32 $0x1, s11;
	v2 =	vld [tilespmem:s18+$0xFFFFFFF0]  }
0x30: {  	s15 =	smul.u32 $0x8100, s30;
	s14 =	sshrl.u32 s14, $0x2;
	v0 =	vld [tilespmem:s18+$0x0]  }
0x31: {  	v1 =	vld [tilespmem:s18+$0xFFFFFFE0];
	s16 =	sor.u32 $0x4000, s14  }
0x32: {  	s31 =	sshrl.u32 s15, $0x2;
	s15 =	sadd.s32 $0x0, s16  }
0x33: {  	s17 =	simm.s32 $0x4;
	s18 =	sadd.s32 $0x40, s18;
	s14 =	sor.u32 $0x4000, s31;
	[tilespmem:s15+$0x1830 ss:$0x81] =	vst.msk $0xffff, v3  }
.LBB1_3:
0x34: {  	v3 =	vld [tilespmem:s18+$0x10];
	p1 =	sne.s32 s17, $0x1FC;
	[tilespmem:s15+$0x810 ss:$0x81] =	vst.msk $0xffff, v2;
	s19 =	smov.u32 s17;
	s17 =	sadd.s32 $0x4, s17  }
.Ltmp3:
0x35: {  	v2 =	vld [tilespmem:s18+$0xFFFFFFF0];
	[tilespmem:s15+$0x1020 ss:$0x81] =	vst.msk $0xffff, v0;
	(pc) =	sbr.rel @p1 .LBB1_3-.Ltmp3, $4  }
0x36: {  	v0 =	vld [tilespmem:s18+$0x0];
	[tilespmem:s15+$0x0 ss:$0x81] =	vst.msk $0xffff, v1  }
0x37: {  	s15 =	sshra.s32 s19, $0x2;
	v1 =	vld [tilespmem:s18+$0xFFFFFFE0]  }
0x38: {  	s15 =	sadd.s32 s15, s16  }
0x39: {  	s18 =	sadd.s32 $0x40, s18;
	[tilespmem:s15+$0x1830 ss:$0x81] =	vst.msk $0xffff, v3  }
.Ltmp4:
0x3a: {  	_ = 	snop;
	(pc) =	sbr.rel .LBB1_4-.Ltmp4, $1  }
0x3b: {  	_ =	sdelay $0x3  }
.LBB1_6:
0x3c: {  	_ =	sfence.sel $0x180000  }
0x3d: {  	s2 =	simm.s32 $0x1;
	[bflag:$0x0] =	sbarrier.arrive $0xFFFF  }
0x3e: {  	s31 =	simm.s32 $0x2;
	[sflag:s2] =	ssyncpa.u1 $0x1  }
0x3f: {  	[sflag:s31] =	ssyncpa.u1 $0x1  }
0x40: {  	p0 =	sne.s32 s0, $0x0;
	_ =	strace $0x9000004A  }
0x41: {  	s0 =	sadd.s32 @!p0 $0x100000, s1;
	[bflag:$0x2] =	sbarrier.arrive $0xFFFF  }
0x42: {  	[sflag:s0] =	ssyncadd.tile.s32 @!p0 $0x1;
	_ =	shalt  }
.Lfunc_end1:
_tile_overlayer_lowered:
.L_overlay_start_2:
0x43: {  	(tag) =	ssettag $0x2  }
0x44: {  	s0 =	rddreg [dreg:$0x0];
	s2 =	stileid.u32  }
0x45: {  	s1 =	rddreg [dreg:$0x1];
	p0 =	sne.s32 s2, $0x0  }
0x46: {  	s3 =	rddreg [dreg:$0x2];
	[bflag:$0x3] =	sbarrier.arrive $0xFFFF;
	s2 =	simm.s32 @!p0 $0x1C01  }
0x47: {  	[timem:s3], [sflag:s2] =	dma.local @!p0 [hbm:s0], s1  }
0x48: {  	s0 =	simm.s32 @!p0 $0x1  }
0x49: {  	_ =	swait.ge @!p0 [sflag:s0], s1  }
0x4a: {  	s1 =	ssub.s32 @!p0 $0x0, s1;
	[sflag:s0] =	ssyncset.done @!p0 $0x0  }
0x4b: {  	[sflag:s0] =	ssyncadd.s32 @!p0 s1  }
0x4c: {  	[bflag:$0x3] =	sbarrier.arrive $0xFFFF  }
0x4d: {  	_ =	shalt  }

</sc_bundles>
